<compile_context>
chip_gen: v7x
topology: tpu7x:2x2x1
jax: 0.10.2.dev20260603
libtpu: 0.0.44.dev20260713+nightly
codegen_flags: <defaults>
</compile_context>

<pallas_src>
import functools

import jax
import jax.numpy as jnp
from jax import lax
from jax.experimental import pallas as pl
from jax.experimental.pallas import tpu as pltpu
from jax.experimental.pallas import tpu_sc as plsc

SEQ_LEN = 8192
D_MODEL = 768
BATCH = 4
EPS = 1e-12

NC = 2
NS = 16
NW = NC * NS
SEQ_PER_W = SEQ_LEN // NW
CHUNK = 64
N_CHUNKS = SEQ_PER_W // CHUNK
GROUPS = CHUNK // 16
CW = CHUNK * D_MODEL


def _rsqrt_newton(v):
    i = plsc.bitcast(v, jnp.int32)
    y = plsc.bitcast(jnp.int32(0x5F3759DF) - (i >> 1), jnp.float32)
    h = v * 0.5
    for _ in range(3):
        y = y * (1.5 - h * y * y)
    return y


def _sc_body(in_hbm, pos_hbm, gamma_hbm, beta_hbm, out_hbm,
             x_v, pos_v, xt_v, gamma_v, beta_v):
    wid = lax.axis_index("s") * NC + lax.axis_index("c")
    base_seq = wid * SEQ_PER_W
    pltpu.sync_copy(gamma_hbm, gamma_v)
    pltpu.sync_copy(beta_hbm, beta_v)
    lane = lax.iota(jnp.int32, 16)
    zero16 = jnp.zeros((16,), jnp.float32)
    one16 = jnp.ones((16,), jnp.int32)
    inv_d = 1.0 / D_MODEL

    def chunk_body(c, _):
        seq0 = base_seq + c * CHUNK
        pltpu.sync_copy(pos_hbm.at[pl.ds(seq0 * D_MODEL, CW)], pos_v)

        def batch_body(b, _):
            off = (b * SEQ_LEN + seq0) * D_MODEL
            pltpu.sync_copy(in_hbm.at[pl.ds(off, CW)], x_v)

            def group_body(g, _):
                idx0 = (lane + g * 16) * D_MODEL

                def p1(j, carry):
                    s, s2, idx = carry
                    a = plsc.load_gather(x_v, [idx])
                    p = plsc.load_gather(pos_v, [idx])
                    x = a + p
                    xt_v[pl.ds(j * 16, 16)] = x
                    return (s + x, s2 + x * x, idx + one16)

                s, s2, _unused = lax.fori_loop(
                    0, D_MODEL, p1, (zero16, zero16, idx0), unroll=16)
                mean16 = s * inv_d
                var16 = s2 * inv_d - mean16 * mean16
                scale16 = _rsqrt_newton(var16 + EPS)
                shift16 = -mean16 * scale16

                def p2(jj, idx, scale16=scale16, shift16=shift16):
                    gvec = gamma_v[pl.ds(jj * 16, 16)]
                    bvec = beta_v[pl.ds(jj * 16, 16)]
                    for k in range(16):
                        x = xt_v[pl.ds(jj * 256 + k * 16, 16)]
                        t = x * scale16 + shift16
                        o = t * gvec[k] + bvec[k]
                        plsc.store_scatter(x_v, [idx], o)
                        idx = idx + one16
                    return idx

                lax.fori_loop(0, D_MODEL // 16, p2, idx0)
                return 0

            lax.fori_loop(0, GROUPS, group_body, 0)
            pltpu.sync_copy(x_v, out_hbm.at[pl.ds(off, CW)])
            return 0

        lax.fori_loop(0, BATCH, batch_body, 0)
        return 0

    lax.fori_loop(0, N_CHUNKS, chunk_body, 0)


@jax.jit
def kernel(inputs_embeds, pos_table, ln_gamma, ln_beta):
    mesh = plsc.VectorSubcoreMesh(core_axis_name="c", subcore_axis_name="s")
    f = pl.kernel(
        _sc_body,
        out_type=jax.ShapeDtypeStruct((BATCH * SEQ_LEN * D_MODEL,),
                                      jnp.float32),
        mesh=mesh,
        scratch_types=[
            pltpu.VMEM((CW,), jnp.float32),
            pltpu.VMEM((CW,), jnp.float32),
            pltpu.VMEM((16 * D_MODEL,), jnp.float32),
            pltpu.VMEM((D_MODEL,), jnp.float32),
            pltpu.VMEM((D_MODEL,), jnp.float32),
        ],
        compiler_params=pltpu.CompilerParams(
            use_tc_tiling_on_sc=False, needs_layout_passes=False),
    )
    out = f(inputs_embeds.reshape(-1), pos_table.reshape(-1),
            ln_gamma, ln_beta)
    return out.reshape(BATCH, SEQ_LEN, D_MODEL)

# --- scband reference (transcript-rebuilt; emitter-appended) ---
"""Pipeline reference for scband-bert-embeddings-64476049047800 (READ-ONLY COPY).

The authoritative reference and input builder live on the scoring server;
editing this copy changes nothing except your own understanding.
"""

import jax, jax.numpy as jnp
import numpy as np

SEQ_LEN = 8192
D_MODEL = 768
BATCH = 4
EPS = 1e-12


def setup_inputs(seed: int = 0) -> dict:
    key = jax.random.key(seed)
    k1, k2 = jax.random.split(key)
    inputs_embeds = jax.random.normal(k1, (BATCH, SEQ_LEN, D_MODEL), dtype=jnp.float32)
    pos_table = jax.random.normal(k2, (SEQ_LEN, D_MODEL), dtype=jnp.float32) * 0.02
    ln_gamma = jnp.ones((D_MODEL,), dtype=jnp.float32)
    ln_beta = jnp.zeros((D_MODEL,), dtype=jnp.float32)
    return {
        'inputs_embeds': inputs_embeds,
        'pos_table': pos_table,
        'ln_gamma': ln_gamma,
        'ln_beta': ln_beta,
    }


def reference(inputs_embeds, pos_table, ln_gamma, ln_beta):
    # position_ids = arange(seq_len) expanded to (1, seq_len)
    position_ids = jnp.arange(SEQ_LEN)
    # embedding lookup (gather)
    position_embeddings = jnp.take(pos_table, position_ids, axis=0)[None, :, :]
    embeddings = inputs_embeds + position_embeddings
    # LayerNorm over last dim, eps=1e-12
    mean = jnp.mean(embeddings, axis=-1, keepdims=True)
    var = jnp.mean(jnp.square(embeddings - mean), axis=-1, keepdims=True)
    normed = (embeddings - mean) / jnp.sqrt(var + EPS)
    out = normed * ln_gamma + ln_beta
    # dropout is identity in eval mode
    return out

if __name__ == "__main__":
    import jax
    _d = setup_inputs()
    print(jax.jit(kernel)(*tuple(_d.values())))

</pallas_src>

<mosaic_0001>
#map = affine_map<(d0, d1) -> (0)>
module attributes {stable_mosaic.version = 14 : i64} {
  func.func @_sc_body(%arg0: i32, %arg1: i32, %arg2: memref<25165824xf32, #tpu.memory_space<hbm>>, %arg3: memref<6291456xf32, #tpu.memory_space<hbm>>, %arg4: memref<768xf32, #tpu.memory_space<hbm>>, %arg5: memref<768xf32, #tpu.memory_space<hbm>>, %arg6: memref<25165824xf32, #tpu.memory_space<hbm>>, %arg7: memref<49152xf32, #tpu.memory_space<vmem>>, %arg8: memref<49152xf32, #tpu.memory_space<vmem>>, %arg9: memref<12288xf32, #tpu.memory_space<vmem>>, %arg10: memref<768xf32, #tpu.memory_space<vmem>>, %arg11: memref<768xf32, #tpu.memory_space<vmem>>) attributes {dimension_semantics = [#tpu.dimension_semantics<core_parallel>, #tpu.dimension_semantics<subcore_parallel>], iteration_bounds = array<i64: 2, 16>, scalar_prefetch = 0 : i64, scratch_operands = 5 : i64, tpu.core_type = #tpu.core_type<sc_vector_subcore>, window_params = [{transform_indices = #map}, {transform_indices = #map}, {transform_indices = #map}, {transform_indices = #map}, {transform_indices = #map}]} {
    %mul3A = arith.constant 2 : i32
    %mul3A_0 = arith.muli %arg1, %mul3A : i32
    %add3A = arith.addi %mul3A_0, %arg0 : i32
    %mul3A_1 = arith.constant 256 : i32
    %mul3A_2 = arith.muli %add3A, %mul3A_1 : i32
    "tpu.region"() ({
      %run_scoped3A = tpu.sem_alloc : memref<!tpu.dma_semaphore, #tpu.memory_space<semaphore_mem>>
      tpu.enqueue_dma source(%arg4 : memref<768xf32, #tpu.memory_space<hbm>>) target(%arg10 : memref<768xf32, #tpu.memory_space<vmem>>) target_semaphore(%run_scoped3A : memref<!tpu.dma_semaphore, #tpu.memory_space<semaphore_mem>>)
      tpu.wait_dma2 semaphore(%run_scoped3A : memref<!tpu.dma_semaphore, #tpu.memory_space<semaphore_mem>>) src(%arg4 : memref<768xf32, #tpu.memory_space<hbm>>) dst(%arg10 : memref<768xf32, #tpu.memory_space<vmem>>)
      tpu.yield
    }) : () -> ()
    "tpu.region"() ({
      %run_scoped3A = tpu.sem_alloc : memref<!tpu.dma_semaphore, #tpu.memory_space<semaphore_mem>>
      tpu.enqueue_dma source(%arg5 : memref<768xf32, #tpu.memory_space<hbm>>) target(%arg11 : memref<768xf32, #tpu.memory_space<vmem>>) target_semaphore(%run_scoped3A : memref<!tpu.dma_semaphore, #tpu.memory_space<semaphore_mem>>)
      tpu.wait_dma2 semaphore(%run_scoped3A : memref<!tpu.dma_semaphore, #tpu.memory_space<semaphore_mem>>) src(%arg5 : memref<768xf32, #tpu.memory_space<hbm>>) dst(%arg11 : memref<768xf32, #tpu.memory_space<vmem>>)
      tpu.yield
    }) : () -> ()
    %iota3A = tpu.iota {dimensions = array<i32: 0>} : vector<16xi32>
    %broadcast_in_dim3A = arith.constant 0.000000e+00 : f32
    %broadcast_in_dim3A_3 = vector.broadcast %broadcast_in_dim3A : f32 to vector<16xf32>
    %broadcast_in_dim3A_4 = arith.constant 1 : i32
    %broadcast_in_dim3A_5 = vector.broadcast %broadcast_in_dim3A_4 : i32 to vector<16xi32>
    %scan3A = arith.constant 0 : i32
    %scan3A_6 = arith.constant 0 : i32
    %scan3A_7 = arith.constant 4 : i32
    %scan3A_8 = arith.addi %scan3A_6, %scan3A_7 : i32
    %scan3A_9 = arith.constant 1 : i32
    %scan3A_10 = scf.for %scan3A_12 = %scan3A_6 to %scan3A_8 step %scan3A_9 iter_args(%scan3A_13 = %scan3A) -> (i32)  : i32 {
      %mul3A_14 = arith.constant 64 : i32
      %mul3A_15 = arith.muli %scan3A_12, %mul3A_14 : i32
      %add3A_16 = arith.addi %mul3A_2, %mul3A_15 : i32
      %mul3A_17 = arith.constant 768 : i32
      %mul3A_18 = arith.muli %add3A_16, %mul3A_17 : i32
      "tpu.region"() ({
        %run_scoped3A = tpu.sem_alloc : memref<!tpu.dma_semaphore, #tpu.memory_space<semaphore_mem>>
        %dma_start3A = tpu.memref_slice %arg3[%mul3A_18] : memref<6291456xf32, #tpu.memory_space<hbm>> -> memref<49152xf32, #tpu.memory_space<hbm>>
        %dma_start3A_27 = tpu.memref_slice %arg3[%mul3A_18] : memref<6291456xf32, #tpu.memory_space<hbm>> -> memref<49152xf32, #tpu.memory_space<hbm>>
        tpu.enqueue_dma source(%dma_start3A_27 : memref<49152xf32, #tpu.memory_space<hbm>>) target(%arg8 : memref<49152xf32, #tpu.memory_space<vmem>>) target_semaphore(%run_scoped3A : memref<!tpu.dma_semaphore, #tpu.memory_space<semaphore_mem>>)
        %dma_wait3A = tpu.memref_slice %arg3[%mul3A_18] : memref<6291456xf32, #tpu.memory_space<hbm>> -> memref<49152xf32, #tpu.memory_space<hbm>>
        %dma_wait3A_28 = tpu.memref_slice %arg3[%mul3A_18] : memref<6291456xf32, #tpu.memory_space<hbm>> -> memref<49152xf32, #tpu.memory_space<hbm>>
        tpu.wait_dma2 semaphore(%run_scoped3A : memref<!tpu.dma_semaphore, #tpu.memory_space<semaphore_mem>>) src(%dma_wait3A_28 : memref<49152xf32, #tpu.memory_space<hbm>>) dst(%arg8 : memref<49152xf32, #tpu.memory_space<vmem>>)
        tpu.yield
      }) : () -> ()
      %scan3A_19 = arith.constant 0 : i32
      %scan3A_20 = arith.constant 0 : i32
      %scan3A_21 = arith.constant 4 : i32
      %scan3A_22 = arith.addi %scan3A_20, %scan3A_21 : i32
      %scan3A_23 = arith.constant 1 : i32
      %scan3A_24 = scf.for %scan3A_27 = %scan3A_20 to %scan3A_22 step %scan3A_23 iter_args(%scan3A_28 = %scan3A_19) -> (i32)  : i32 {
        %mul3A_29 = arith.constant 8192 : i32
        %mul3A_30 = arith.muli %scan3A_27, %mul3A_29 : i32
        %add3A_31 = arith.addi %mul3A_30, %add3A_16 : i32
        %mul3A_32 = arith.constant 768 : i32
        %mul3A_33 = arith.muli %add3A_31, %mul3A_32 : i32
        "tpu.region"() ({
          %run_scoped3A = tpu.sem_alloc : memref<!tpu.dma_semaphore, #tpu.memory_space<semaphore_mem>>
          %dma_start3A = tpu.memref_slice %arg2[%mul3A_33] : memref<25165824xf32, #tpu.memory_space<hbm>> -> memref<49152xf32, #tpu.memory_space<hbm>>
          %dma_start3A_42 = tpu.memref_slice %arg2[%mul3A_33] : memref<25165824xf32, #tpu.memory_space<hbm>> -> memref<49152xf32, #tpu.memory_space<hbm>>
          tpu.enqueue_dma source(%dma_start3A_42 : memref<49152xf32, #tpu.memory_space<hbm>>) target(%arg7 : memref<49152xf32, #tpu.memory_space<vmem>>) target_semaphore(%run_scoped3A : memref<!tpu.dma_semaphore, #tpu.memory_space<semaphore_mem>>)
          %dma_wait3A = tpu.memref_slice %arg2[%mul3A_33] : memref<25165824xf32, #tpu.memory_space<hbm>> -> memref<49152xf32, #tpu.memory_space<hbm>>
          %dma_wait3A_43 = tpu.memref_slice %arg2[%mul3A_33] : memref<25165824xf32, #tpu.memory_space<hbm>> -> memref<49152xf32, #tpu.memory_space<hbm>>
          tpu.wait_dma2 semaphore(%run_scoped3A : memref<!tpu.dma_semaphore, #tpu.memory_space<semaphore_mem>>) src(%dma_wait3A_43 : memref<49152xf32, #tpu.memory_space<hbm>>) dst(%arg7 : memref<49152xf32, #tpu.memory_space<vmem>>)
          tpu.yield
        }) : () -> ()
        %scan3A_34 = arith.constant 0 : i32
        %scan3A_35 = arith.constant 0 : i32
        %scan3A_36 = arith.constant 4 : i32
        %scan3A_37 = arith.addi %scan3A_35, %scan3A_36 : i32
        %scan3A_38 = arith.constant 1 : i32
        %scan3A_39 = scf.for %scan3A_42 = %scan3A_35 to %scan3A_37 step %scan3A_38 iter_args(%scan3A_43 = %scan3A_34) -> (i32)  : i32 {
          %mul3A_44 = arith.constant 16 : i32
          %mul3A_45 = arith.muli %scan3A_42, %mul3A_44 : i32
          %add3A_46 = vector.broadcast %mul3A_45 : i32 to vector<16xi32>
          %add3A_47 = arith.addi %iota3A, %add3A_46 : vector<16xi32>
          %mul3A_48 = arith.constant 768 : i32
          %mul3A_49 = vector.broadcast %mul3A_48 : i32 to vector<16xi32>
          %mul3A_50 = arith.muli %add3A_47, %mul3A_49 : vector<16xi32>
          %scan3A_51 = arith.constant 0 : i32
          %scan3A_52 = arith.constant 768 : i32
          %scan3A_53 = arith.addi %scan3A_51, %scan3A_52 : i32
          %scan3A_54 = arith.constant 16 : i32
          %scan3A_55:3 = scf.for %scan3A_104 = %scan3A_51 to %scan3A_53 step %scan3A_54 iter_args(%scan3A_105 = %broadcast_in_dim3A_3, %scan3A_106 = %broadcast_in_dim3A_3, %scan3A_107 = %mul3A_50) -> (vector<16xf32>, vector<16xf32>, vector<16xi32>)  : i32 {
            %gather3A = tpu.vector_load_idx %arg7[%scan3A_107] : memref<49152xf32, #tpu.memory_space<vmem>>[vector<16xi32>], vector<16xf32>,
            %gather3A_108 = tpu.vector_load_idx %arg8[%scan3A_107] : memref<49152xf32, #tpu.memory_space<vmem>>[vector<16xi32>], vector<16xf32>,
            %add3A_109 = arith.addf %gather3A, %gather3A_108 : vector<16xf32>
            %mul3A_110 = arith.constant 16 : i32
            %mul3A_111 = arith.muli %scan3A_104, %mul3A_110 : i32
            %swap3A = arith.index_cast %mul3A_111 : i32 to index
            %swap3A_112 = tpu.vector_load %arg9[%swap3A] {strides = array<i32>} : memref<12288xf32, #tpu.memory_space<vmem>>, vector<16xf32>,
            tpu.vector_store %arg9[%swap3A], %add3A_109 {strides = array<i32>} : memref<12288xf32, #tpu.memory_space<vmem>>, vector<16xf32>,
            %add3A_113 = arith.addf %scan3A_105, %add3A_109 : vector<16xf32>
            %mul3A_114 = arith.mulf %add3A_109, %add3A_109 : vector<16xf32>
            %add3A_115 = arith.addf %scan3A_106, %mul3A_114 : vector<16xf32>
            %add3A_116 = arith.addi %scan3A_107, %broadcast_in_dim3A_5 : vector<16xi32>
            %scan3A_117 = arith.constant 1 : i32
            %scan3A_118 = arith.addi %scan3A_104, %scan3A_117 : i32
            %gather3A_119 = tpu.vector_load_idx %arg7[%add3A_116] : memref<49152xf32, #tpu.memory_space<vmem>>[vector<16xi32>], vector<16xf32>,
            %gather3A_120 = tpu.vector_load_idx %arg8[%add3A_116] : memref<49152xf32, #tpu.memory_space<vmem>>[vector<16xi32>], vector<16xf32>,
            %add3A_121 = arith.addf %gather3A_119, %gather3A_120 : vector<16xf32>
            %mul3A_122 = arith.constant 16 : i32
            %mul3A_123 = arith.muli %scan3A_118, %mul3A_122 : i32
            %swap3A_124 = arith.index_cast %mul3A_123 : i32 to index
            %swap3A_125 = tpu.vector_load %arg9[%swap3A_124] {strides = array<i32>} : memref<12288xf32, #tpu.memory_space<vmem>>, vector<16xf32>,
            tpu.vector_store %arg9[%swap3A_124], %add3A_121 {strides = array<i32>} : memref<12288xf32, #tpu.memory_space<vmem>>, vector<16xf32>,
            %add3A_126 = arith.addf %add3A_113, %add3A_121 : vector<16xf32>
            %mul3A_127 = arith.mulf %add3A_121, %add3A_121 : vector<16xf32>
            %add3A_128 = arith.addf %add3A_115, %mul3A_127 : vector<16xf32>
            %add3A_129 = arith.addi %add3A_116, %broadcast_in_dim3A_5 : vector<16xi32>
            %scan3A_130 = arith.constant 2 : i32
            %scan3A_131 = arith.addi %scan3A_104, %scan3A_130 : i32
            %gather3A_132 = tpu.vector_load_idx %arg7[%add3A_129] : memref<49152xf32, #tpu.memory_space<vmem>>[vector<16xi32>], vector<16xf32>,
            %gather3A_133 = tpu.vector_load_idx %arg8[%add3A_129] : memref<49152xf32, #tpu.memory_space<vmem>>[vector<16xi32>], vector<16xf32>,
            %add3A_134 = arith.addf %gather3A_132, %gather3A_133 : vector<16xf32>
            %mul3A_135 = arith.constant 16 : i32
            %mul3A_136 = arith.muli %scan3A_131, %mul3A_135 : i32
            %swap3A_137 = arith.index_cast %mul3A_136 : i32 to index
            %swap3A_138 = tpu.vector_load %arg9[%swap3A_137] {strides = array<i32>} : memref<12288xf32, #tpu.memory_space<vmem>>, vector<16xf32>,
            tpu.vector_store %arg9[%swap3A_137], %add3A_134 {strides = array<i32>} : memref<12288xf32, #tpu.memory_space<vmem>>, vector<16xf32>,
            %add3A_139 = arith.addf %add3A_126, %add3A_134 : vector<16xf32>
            %mul3A_140 = arith.mulf %add3A_134, %add3A_134 : vector<16xf32>
            %add3A_141 = arith.addf %add3A_128, %mul3A_140 : vector<16xf32>
            %add3A_142 = arith.addi %add3A_129, %broadcast_in_dim3A_5 : vector<16xi32>
            %scan3A_143 = arith.constant 3 : i32
            %scan3A_144 = arith.addi %scan3A_104, %scan3A_143 : i32
            %gather3A_145 = tpu.vector_load_idx %arg7[%add3A_142] : memref<49152xf32, #tpu.memory_space<vmem>>[vector<16xi32>], vector<16xf32>,
            %gather3A_146 = tpu.vector_load_idx %arg8[%add3A_142] : memref<49152xf32, #tpu.memory_space<vmem>>[vector<16xi32>], vector<16xf32>,
            %add3A_147 = arith.addf %gather3A_145, %gather3A_146 : vector<16xf32>
            %mul3A_148 = arith.constant 16 : i32
            %mul3A_149 = arith.muli %scan3A_144, %mul3A_148 : i32
            %swap3A_150 = arith.index_cast %mul3A_149 : i32 to index
            %swap3A_151 = tpu.vector_load %arg9[%swap3A_150] {strides = array<i32>} : memref<12288xf32, #tpu.memory_space<vmem>>, vector<16xf32>,
            tpu.vector_store %arg9[%swap3A_150], %add3A_147 {strides = array<i32>} : memref<12288xf32, #tpu.memory_space<vmem>>, vector<16xf32>,
            %add3A_152 = arith.addf %add3A_139, %add3A_147 : vector<16xf32>
            %mul3A_153 = arith.mulf %add3A_147, %add3A_147 : vector<16xf32>
            %add3A_154 = arith.addf %add3A_141, %mul3A_153 : vector<16xf32>
            %add3A_155 = arith.addi %add3A_142, %broadcast_in_dim3A_5 : vector<16xi32>
            %scan3A_156 = arith.constant 4 : i32
            %scan3A_157 = arith.addi %scan3A_104, %scan3A_156 : i32
            %gather3A_158 = tpu.vector_load_idx %arg7[%add3A_155] : memref<49152xf32, #tpu.memory_space<vmem>>[vector<16xi32>], vector<16xf32>,
            %gather3A_159 = tpu.vector_load_idx %arg8[%add3A_155] : memref<49152xf32, #tpu.memory_space<vmem>>[vector<16xi32>], vector<16xf32>,
            %add3A_160 = arith.addf %gather3A_158, %gather3A_159 : vector<16xf32>
            %mul3A_161 = arith.constant 16 : i32
            %mul3A_162 = arith.muli %scan3A_157, %mul3A_161 : i32
            %swap3A_163 = arith.index_cast %mul3A_162 : i32 to index
            %swap3A_164 = tpu.vector_load %arg9[%swap3A_163] {strides = array<i32>} : memref<12288xf32, #tpu.memory_space<vmem>>, vector<16xf32>,
            tpu.vector_store %arg9[%swap3A_163], %add3A_160 {strides = array<i32>} : memref<12288xf32, #tpu.memory_space<vmem>>, vector<16xf32>,
            %add3A_165 = arith.addf %add3A_152, %add3A_160 : vector<16xf32>
            %mul3A_166 = arith.mulf %add3A_160, %add3A_160 : vector<16xf32>
            %add3A_167 = arith.addf %add3A_154, %mul3A_166 : vector<16xf32>
            %add3A_168 = arith.addi %add3A_155, %broadcast_in_dim3A_5 : vector<16xi32>
            %scan3A_169 = arith.constant 5 : i32
            %scan3A_170 = arith.addi %scan3A_104, %scan3A_169 : i32
            %gather3A_171 = tpu.vector_load_idx %arg7[%add3A_168] : memref<49152xf32, #tpu.memory_space<vmem>>[vector<16xi32>], vector<16xf32>,
            %gather3A_172 = tpu.vector_load_idx %arg8[%add3A_168] : memref<49152xf32, #tpu.memory_space<vmem>>[vector<16xi32>], vector<16xf32>,
            %add3A_173 = arith.addf %gather3A_171, %gather3A_172 : vector<16xf32>
            %mul3A_174 = arith.constant 16 : i32
            %mul3A_175 = arith.muli %scan3A_170, %mul3A_174 : i32
            %swap3A_176 = arith.index_cast %mul3A_175 : i32 to index
            %swap3A_177 = tpu.vector_load %arg9[%swap3A_176] {strides = array<i32>} : memref<12288xf32, #tpu.memory_space<vmem>>, vector<16xf32>,
            tpu.vector_store %arg9[%swap3A_176], %add3A_173 {strides = array<i32>} : memref<12288xf32, #tpu.memory_space<vmem>>, vector<16xf32>,
            %add3A_178 = arith.addf %add3A_165, %add3A_173 : vector<16xf32>
            %mul3A_179 = arith.mulf %add3A_173, %add3A_173 : vector<16xf32>
            %add3A_180 = arith.addf %add3A_167, %mul3A_179 : vector<16xf32>
            %add3A_181 = arith.addi %add3A_168, %broadcast_in_dim3A_5 : vector<16xi32>
            %scan3A_182 = arith.constant 6 : i32
            %scan3A_183 = arith.addi %scan3A_104, %scan3A_182 : i32
            %gather3A_184 = tpu.vector_load_idx %arg7[%add3A_181] : memref<49152xf32, #tpu.memory_space<vmem>>[vector<16xi32>], vector<16xf32>,
            %gather3A_185 = tpu.vector_load_idx %arg8[%add3A_181] : memref<49152xf32, #tpu.memory_space<vmem>>[vector<16xi32>], vector<16xf32>,
            %add3A_186 = arith.addf %gather3A_184, %gather3A_185 : vector<16xf32>
            %mul3A_187 = arith.constant 16 : i32
            %mul3A_188 = arith.muli %scan3A_183, %mul3A_187 : i32
            %swap3A_189 = arith.index_cast %mul3A_188 : i32 to index
            %swap3A_190 = tpu.vector_load %arg9[%swap3A_189] {strides = array<i32>} : memref<12288xf32, #tpu.memory_space<vmem>>, vector<16xf32>,
            tpu.vector_store %arg9[%swap3A_189], %add3A_186 {strides = array<i32>} : memref<12288xf32, #tpu.memory_space<vmem>>, vector<16xf32>,
            %add3A_191 = arith.addf %add3A_178, %add3A_186 : vector<16xf32>
            %mul3A_192 = arith.mulf %add3A_186, %add3A_186 : vector<16xf32>
            %add3A_193 = arith.addf %add3A_180, %mul3A_192 : vector<16xf32>
            %add3A_194 = arith.addi %add3A_181, %broadcast_in_dim3A_5 : vector<16xi32>
            %scan3A_195 = arith.constant 7 : i32
            %scan3A_196 = arith.addi %scan3A_104, %scan3A_195 : i32
            %gather3A_197 = tpu.vector_load_idx %arg7[%add3A_194] : memref<49152xf32, #tpu.memory_space<vmem>>[vector<16xi32>], vector<16xf32>,
            %gather3A_198 = tpu.vector_load_idx %arg8[%add3A_194] : memref<49152xf32, #tpu.memory_space<vmem>>[vector<16xi32>], vector<16xf32>,
            %add3A_199 = arith.addf %gather3A_197, %gather3A_198 : vector<16xf32>
            %mul3A_200 = arith.constant 16 : i32
            %mul3A_201 = arith.muli %scan3A_196, %mul3A_200 : i32
            %swap3A_202 = arith.index_cast %mul3A_201 : i32 to index
            %swap3A_203 = tpu.vector_load %arg9[%swap3A_202] {strides = array<i32>} : memref<12288xf32, #tpu.memory_space<vmem>>, vector<16xf32>,
            tpu.vector_store %arg9[%swap3A_202], %add3A_199 {strides = array<i32>} : memref<12288xf32, #tpu.memory_space<vmem>>, vector<16xf32>,
            %add3A_204 = arith.addf %add3A_191, %add3A_199 : vector<16xf32>
            %mul3A_205 = arith.mulf %add3A_199, %add3A_199 : vector<16xf32>
            %add3A_206 = arith.addf %add3A_193, %mul3A_205 : vector<16xf32>
            %add3A_207 = arith.addi %add3A_194, %broadcast_in_dim3A_5 : vector<16xi32>
            %scan3A_208 = arith.constant 8 : i32
            %scan3A_209 = arith.addi %scan3A_104, %scan3A_208 : i32
            %gather3A_210 = tpu.vector_load_idx %arg7[%add3A_207] : memref<49152xf32, #tpu.memory_space<vmem>>[vector<16xi32>], vector<16xf32>,
            %gather3A_211 = tpu.vector_load_idx %arg8[%add3A_207] : memref<49152xf32, #tpu.memory_space<vmem>>[vector<16xi32>], vector<16xf32>,
            %add3A_212 = arith.addf %gather3A_210, %gather3A_211 : vector<16xf32>
            %mul3A_213 = arith.constant 16 : i32
            %mul3A_214 = arith.muli %scan3A_209, %mul3A_213 : i32
            %swap3A_215 = arith.index_cast %mul3A_214 : i32 to index
            %swap3A_216 = tpu.vector_load %arg9[%swap3A_215] {strides = array<i32>} : memref<12288xf32, #tpu.memory_space<vmem>>, vector<16xf32>,
            tpu.vector_store %arg9[%swap3A_215], %add3A_212 {strides = array<i32>} : memref<12288xf32, #tpu.memory_space<vmem>>, vector<16xf32>,
            %add3A_217 = arith.addf %add3A_204, %add3A_212 : vector<16xf32>
            %mul3A_218 = arith.mulf %add3A_212, %add3A_212 : vector<16xf32>
            %add3A_219 = arith.addf %add3A_206, %mul3A_218 : vector<16xf32>
            %add3A_220 = arith.addi %add3A_207, %broadcast_in_dim3A_5 : vector<16xi32>
            %scan3A_221 = arith.constant 9 : i32
            %scan3A_222 = arith.addi %scan3A_104, %scan3A_221 : i32
            %gather3A_223 = tpu.vector_load_idx %arg7[%add3A_220] : memref<49152xf32, #tpu.memory_space<vmem>>[vector<16xi32>], vector<16xf32>,
            %gather3A_224 = tpu.vector_load_idx %arg8[%add3A_220] : memref<49152xf32, #tpu.memory_space<vmem>>[vector<16xi32>], vector<16xf32>,
            %add3A_225 = arith.addf %gather3A_223, %gather3A_224 : vector<16xf32>
            %mul3A_226 = arith.constant 16 : i32
            %mul3A_227 = arith.muli %scan3A_222, %mul3A_226 : i32
            %swap3A_228 = arith.index_cast %mul3A_227 : i32 to index
            %swap3A_229 = tpu.vector_load %arg9[%swap3A_228] {strides = array<i32>} : memref<12288xf32, #tpu.memory_space<vmem>>, vector<16xf32>,
            tpu.vector_store %arg9[%swap3A_228], %add3A_225 {strides = array<i32>} : memref<12288xf32, #tpu.memory_space<vmem>>, vector<16xf32>,
            %add3A_230 = arith.addf %add3A_217, %add3A_225 : vector<16xf32>
            %mul3A_231 = arith.mulf %add3A_225, %add3A_225 : vector<16xf32>
            %add3A_232 = arith.addf %add3A_219, %mul3A_231 : vector<16xf32>
            %add3A_233 = arith.addi %add3A_220, %broadcast_in_dim3A_5 : vector<16xi32>
            %scan3A_234 = arith.constant 10 : i32
            %scan3A_235 = arith.addi %scan3A_104, %scan3A_234 : i32
            %gather3A_236 = tpu.vector_load_idx %arg7[%add3A_233] : memref<49152xf32, #tpu.memory_space<vmem>>[vector<16xi32>], vector<16xf32>,
            %gather3A_237 = tpu.vector_load_idx %arg8[%add3A_233] : memref<49152xf32, #tpu.memory_space<vmem>>[vector<16xi32>], vector<16xf32>,
            %add3A_238 = arith.addf %gather3A_236, %gather3A_237 : vector<16xf32>
            %mul3A_239 = arith.constant 16 : i32
            %mul3A_240 = arith.muli %scan3A_235, %mul3A_239 : i32
            %swap3A_241 = arith.index_cast %mul3A_240 : i32 to index
            %swap3A_242 = tpu.vector_load %arg9[%swap3A_241] {strides = array<i32>} : memref<12288xf32, #tpu.memory_space<vmem>>, vector<16xf32>,
            tpu.vector_store %arg9[%swap3A_241], %add3A_238 {strides = array<i32>} : memref<12288xf32, #tpu.memory_space<vmem>>, vector<16xf32>,
            %add3A_243 = arith.addf %add3A_230, %add3A_238 : vector<16xf32>
            %mul3A_244 = arith.mulf %add3A_238, %add3A_238 : vector<16xf32>
            %add3A_245 = arith.addf %add3A_232, %mul3A_244 : vector<16xf32>
            %add3A_246 = arith.addi %add3A_233, %broadcast_in_dim3A_5 : vector<16xi32>
            %scan3A_247 = arith.constant 11 : i32
            %scan3A_248 = arith.addi %scan3A_104, %scan3A_247 : i32
            %gather3A_249 = tpu.vector_load_idx %arg7[%add3A_246] : memref<49152xf32, #tpu.memory_space<vmem>>[vector<16xi32>], vector<16xf32>,
            %gather3A_250 = tpu.vector_load_idx %arg8[%add3A_246] : memref<49152xf32, #tpu.memory_space<vmem>>[vector<16xi32>], vector<16xf32>,
            %add3A_251 = arith.addf %gather3A_249, %gather3A_250 : vector<16xf32>
            %mul3A_252 = arith.constant 16 : i32
            %mul3A_253 = arith.muli %scan3A_248, %mul3A_252 : i32
            %swap3A_254 = arith.index_cast %mul3A_253 : i32 to index
            %swap3A_255 = tpu.vector_load %arg9[%swap3A_254] {strides = array<i32>} : memref<12288xf32, #tpu.memory_space<vmem>>, vector<16xf32>,
            tpu.vector_store %arg9[%swap3A_254], %add3A_251 {strides = array<i32>} : memref<12288xf32, #tpu.memory_space<vmem>>, vector<16xf32>,
            %add3A_256 = arith.addf %add3A_243, %add3A_251 : vector<16xf32>
            %mul3A_257 = arith.mulf %add3A_251, %add3A_251 : vector<16xf32>
            %add3A_258 = arith.addf %add3A_245, %mul3A_257 : vector<16xf32>
            %add3A_259 = arith.addi %add3A_246, %broadcast_in_dim3A_5 : vector<16xi32>
            %scan3A_260 = arith.constant 12 : i32
            %scan3A_261 = arith.addi %scan3A_104, %scan3A_260 : i32
            %gather3A_262 = tpu.vector_load_idx %arg7[%add3A_259] : memref<49152xf32, #tpu.memory_space<vmem>>[vector<16xi32>], vector<16xf32>,
            %gather3A_263 = tpu.vector_load_idx %arg8[%add3A_259] : memref<49152xf32, #tpu.memory_space<vmem>>[vector<16xi32>], vector<16xf32>,
            %add3A_264 = arith.addf %gather3A_262, %gather3A_263 : vector<16xf32>
            %mul3A_265 = arith.constant 16 : i32
            %mul3A_266 = arith.muli %scan3A_261, %mul3A_265 : i32
            %swap3A_267 = arith.index_cast %mul3A_266 : i32 to index
            %swap3A_268 = tpu.vector_load %arg9[%swap3A_267] {strides = array<i32>} : memref<12288xf32, #tpu.memory_space<vmem>>, vector<16xf32>,
            tpu.vector_store %arg9[%swap3A_267], %add3A_264 {strides = array<i32>} : memref<12288xf32, #tpu.memory_space<vmem>>, vector<16xf32>,
            %add3A_269 = arith.addf %add3A_256, %add3A_264 : vector<16xf32>
            %mul3A_270 = arith.mulf %add3A_264, %add3A_264 : vector<16xf32>
            %add3A_271 = arith.addf %add3A_258, %mul3A_270 : vector<16xf32>
            %add3A_272 = arith.addi %add3A_259, %broadcast_in_dim3A_5 : vector<16xi32>
            %scan3A_273 = arith.constant 13 : i32
            %scan3A_274 = arith.addi %scan3A_104, %scan3A_273 : i32
            %gather3A_275 = tpu.vector_load_idx %arg7[%add3A_272] : memref<49152xf32, #tpu.memory_space<vmem>>[vector<16xi32>], vector<16xf32>,
            %gather3A_276 = tpu.vector_load_idx %arg8[%add3A_272] : memref<49152xf32, #tpu.memory_space<vmem>>[vector<16xi32>], vector<16xf32>,
            %add3A_277 = arith.addf %gather3A_275, %gather3A_276 : vector<16xf32>
            %mul3A_278 = arith.constant 16 : i32
            %mul3A_279 = arith.muli %scan3A_274, %mul3A_278 : i32
            %swap3A_280 = arith.index_cast %mul3A_279 : i32 to index
            %swap3A_281 = tpu.vector_load %arg9[%swap3A_280] {strides = array<i32>} : memref<12288xf32, #tpu.memory_space<vmem>>, vector<16xf32>,
            tpu.vector_store %arg9[%swap3A_280], %add3A_277 {strides = array<i32>} : memref<12288xf32, #tpu.memory_space<vmem>>, vector<16xf32>,
            %add3A_282 = arith.addf %add3A_269, %add3A_277 : vector<16xf32>
            %mul3A_283 = arith.mulf %add3A_277, %add3A_277 : vector<16xf32>
            %add3A_284 = arith.addf %add3A_271, %mul3A_283 : vector<16xf32>
            %add3A_285 = arith.addi %add3A_272, %broadcast_in_dim3A_5 : vector<16xi32>
            %scan3A_286 = arith.constant 14 : i32
            %scan3A_287 = arith.addi %scan3A_104, %scan3A_286 : i32
            %gather3A_288 = tpu.vector_load_idx %arg7[%add3A_285] : memref<49152xf32, #tpu.memory_space<vmem>>[vector<16xi32>], vector<16xf32>,
            %gather3A_289 = tpu.vector_load_idx %arg8[%add3A_285] : memref<49152xf32, #tpu.memory_space<vmem>>[vector<16xi32>], vector<16xf32>,
            %add3A_290 = arith.addf %gather3A_288, %gather3A_289 : vector<16xf32>
            %mul3A_291 = arith.constant 16 : i32
            %mul3A_292 = arith.muli %scan3A_287, %mul3A_291 : i32
            %swap3A_293 = arith.index_cast %mul3A_292 : i32 to index
            %swap3A_294 = tpu.vector_load %arg9[%swap3A_293] {strides = array<i32>} : memref<12288xf32, #tpu.memory_space<vmem>>, vector<16xf32>,
            tpu.vector_store %arg9[%swap3A_293], %add3A_290 {strides = array<i32>} : memref<12288xf32, #tpu.memory_space<vmem>>, vector<16xf32>,
            %add3A_295 = arith.addf %add3A_282, %add3A_290 : vector<16xf32>
            %mul3A_296 = arith.mulf %add3A_290, %add3A_290 : vector<16xf32>
            %add3A_297 = arith.addf %add3A_284, %mul3A_296 : vector<16xf32>
            %add3A_298 = arith.addi %add3A_285, %broadcast_in_dim3A_5 : vector<16xi32>
            %scan3A_299 = arith.constant 15 : i32
            %scan3A_300 = arith.addi %scan3A_104, %scan3A_299 : i32
            %gather3A_301 = tpu.vector_load_idx %arg7[%add3A_298] : memref<49152xf32, #tpu.memory_space<vmem>>[vector<16xi32>], vector<16xf32>,
            %gather3A_302 = tpu.vector_load_idx %arg8[%add3A_298] : memref<49152xf32, #tpu.memory_space<vmem>>[vector<16xi32>], vector<16xf32>,
            %add3A_303 = arith.addf %gather3A_301, %gather3A_302 : vector<16xf32>
            %mul3A_304 = arith.constant 16 : i32
            %mul3A_305 = arith.muli %scan3A_300, %mul3A_304 : i32
            %swap3A_306 = arith.index_cast %mul3A_305 : i32 to index
            %swap3A_307 = tpu.vector_load %arg9[%swap3A_306] {strides = array<i32>} : memref<12288xf32, #tpu.memory_space<vmem>>, vector<16xf32>,
            tpu.vector_store %arg9[%swap3A_306], %add3A_303 {strides = array<i32>} : memref<12288xf32, #tpu.memory_space<vmem>>, vector<16xf32>,
            %add3A_308 = arith.addf %add3A_295, %add3A_303 : vector<16xf32>
            %mul3A_309 = arith.mulf %add3A_303, %add3A_303 : vector<16xf32>
            %add3A_310 = arith.addf %add3A_297, %mul3A_309 : vector<16xf32>
            %add3A_311 = arith.addi %add3A_298, %broadcast_in_dim3A_5 : vector<16xi32>
            scf.yield %add3A_308, %add3A_310, %add3A_311 : vector<16xf32>, vector<16xf32>, vector<16xi32>
          }
          %scan3A_56 = arith.constant 768 : i32
          %mul3A_57 = arith.constant 0.00130208337 : f32
          %mul3A_58 = vector.broadcast %mul3A_57 : f32 to vector<16xf32>
          %mul3A_59 = arith.mulf %scan3A_55#0, %mul3A_58 : vector<16xf32>
          %mul3A_60 = arith.constant 0.00130208337 : f32
          %mul3A_61 = vector.broadcast %mul3A_60 : f32 to vector<16xf32>
          %mul3A_62 = arith.mulf %scan3A_55#1, %mul3A_61 : vector<16xf32>
          %mul3A_63 = arith.mulf %mul3A_59, %mul3A_59 : vector<16xf32>
          %sub3A = arith.subf %mul3A_62, %mul3A_63 : vector<16xf32>
          %add3A_64 = arith.constant 9.99999996E-13 : f32
          %add3A_65 = vector.broadcast %add3A_64 : f32 to vector<16xf32>
          %add3A_66 = arith.addf %sub3A, %add3A_65 : vector<16xf32>
          %bitcast3A = vector.bitcast %add3A_66 : vector<16xf32> to vector<16xi32>
          %shift_right_arithmetic3A = arith.constant 1 : i32
          %shift_right_arithmetic3A_67 = vector.broadcast %shift_right_arithmetic3A : i32 to vector<16xi32>
          %shift_right_arithmetic3A_68 = arith.shrsi %bitcast3A, %shift_right_arithmetic3A_67 : vector<16xi32>
          %sub3A_69 = arith.constant 1597463007 : i32
          %sub3A_70 = vector.broadcast %sub3A_69 : i32 to vector<16xi32>
          %sub3A_71 = arith.subi %sub3A_70, %shift_right_arithmetic3A_68 : vector<16xi32>
          %bitcast3A_72 = vector.bitcast %sub3A_71 : vector<16xi32> to vector<16xf32>
          %mul3A_73 = arith.constant 5.000000e-01 : f32
          %mul3A_74 = vector.broadcast %mul3A_73 : f32 to vector<16xf32>
          %mul3A_75 = arith.mulf %add3A_66, %mul3A_74 : vector<16xf32>
          %mul3A_76 = arith.mulf %mul3A_75, %bitcast3A_72 : vector<16xf32>
          %mul3A_77 = arith.mulf %mul3A_76, %bitcast3A_72 : vector<16xf32>
          %sub3A_78 = arith.constant 1.500000e+00 : f32
          %sub3A_79 = vector.broadcast %sub3A_78 : f32 to vector<16xf32>
          %sub3A_80 = arith.subf %sub3A_79, %mul3A_77 : vector<16xf32>
          %mul3A_81 = arith.mulf %bitcast3A_72, %sub3A_80 : vector<16xf32>
          %mul3A_82 = arith.mulf %mul3A_75, %mul3A_81 : vector<16xf32>
          %mul3A_83 = arith.mulf %mul3A_82, %mul3A_81 : vector<16xf32>
          %sub3A_84 = arith.constant 1.500000e+00 : f32
          %sub3A_85 = vector.broadcast %sub3A_84 : f32 to vector<16xf32>
          %sub3A_86 = arith.subf %sub3A_85, %mul3A_83 : vector<16xf32>
          %mul3A_87 = arith.mulf %mul3A_81, %sub3A_86 : vector<16xf32>
          %mul3A_88 = arith.mulf %mul3A_75, %mul3A_87 : vector<16xf32>
          %mul3A_89 = arith.mulf %mul3A_88, %mul3A_87 : vector<16xf32>
          %sub3A_90 = arith.constant 1.500000e+00 : f32
          %sub3A_91 = vector.broadcast %sub3A_90 : f32 to vector<16xf32>
          %sub3A_92 = arith.subf %sub3A_91, %mul3A_89 : vector<16xf32>
          %mul3A_93 = arith.mulf %mul3A_87, %sub3A_92 : vector<16xf32>
          %neg3A = arith.constant 0.000000e+00 : f32
          %neg3A_94 = vector.broadcast %neg3A : f32 to vector<16xf32>
          %neg3A_95 = arith.subf %neg3A_94, %mul3A_59 : vector<16xf32>
          %mul3A_96 = arith.mulf %neg3A_95, %mul3A_93 : vector<16xf32>
          %scan3A_97 = arith.constant 0 : i32
          %scan3A_98 = arith.constant 48 : i32
          %scan3A_99 = arith.addi %scan3A_97, %scan3A_98 : i32
          %scan3A_100 = arith.constant 1 : i32
          %scan3A_101 = scf.for %scan3A_104 = %scan3A_97 to %scan3A_99 step %scan3A_100 iter_args(%scan3A_105 = %mul3A_50) -> (vector<16xi32>)  : i32 {
            %mul3A_106 = arith.constant 16 : i32
            %mul3A_107 = arith.muli %scan3A_104, %mul3A_106 : i32
            %get3A = arith.index_cast %mul3A_107 : i32 to index
            %get3A_108 = tpu.vector_load %arg10[%get3A] {strides = array<i32>} : memref<768xf32, #tpu.memory_space<vmem>>, vector<16xf32>,
            %mul3A_109 = arith.constant 16 : i32
            %mul3A_110 = arith.muli %scan3A_104, %mul3A_109 : i32
            %get3A_111 = arith.index_cast %mul3A_110 : i32 to index
            %get3A_112 = tpu.vector_load %arg11[%get3A_111] {strides = array<i32>} : memref<768xf32, #tpu.memory_space<vmem>>, vector<16xf32>,
            %mul3A_113 = arith.constant 256 : i32
            %mul3A_114 = arith.muli %scan3A_104, %mul3A_113 : i32
            %add3A_115 = arith.constant 0 : i32
            %add3A_116 = arith.addi %mul3A_114, %add3A_115 : i32
            %get3A_117 = arith.index_cast %add3A_116 : i32 to index
            %get3A_118 = tpu.vector_load %arg9[%get3A_117] {strides = array<i32>} : memref<12288xf32, #tpu.memory_space<vmem>>, vector<16xf32>,
            %mul3A_119 = arith.mulf %get3A_118, %mul3A_93 : vector<16xf32>
            %add3A_120 = arith.addf %mul3A_119, %mul3A_96 : vector<16xf32>
            %slice3A = vector.extract_strided_slice %get3A_108 {offsets = [0], sizes = [1], strides = [1]} : vector<16xf32> to vector<1xf32>
            %squeeze3A = vector.extract %slice3A[0] : f32 from vector<1xf32>
            %mul3A_121 = vector.broadcast %squeeze3A : f32 to vector<16xf32>
            %mul3A_122 = arith.mulf %add3A_120, %mul3A_121 : vector<16xf32>
            %slice3A_123 = vector.extract_strided_slice %get3A_112 {offsets = [0], sizes = [1], strides = [1]} : vector<16xf32> to vector<1xf32>
            %squeeze3A_124 = vector.extract %slice3A_123[0] : f32 from vector<1xf32>
            %add3A_125 = vector.broadcast %squeeze3A_124 : f32 to vector<16xf32>
            %add3A_126 = arith.addf %mul3A_122, %add3A_125 : vector<16xf32>
            tpu.vector_store_idx %arg7[%scan3A_105], %add3A_126 : memref<49152xf32, #tpu.memory_space<vmem>>[vector<16xi32>], vector<16xf32>,
            %add3A_127 = arith.addi %scan3A_105, %broadcast_in_dim3A_5 : vector<16xi32>
            %mul3A_128 = arith.constant 256 : i32
            %mul3A_129 = arith.muli %scan3A_104, %mul3A_128 : i32
            %add3A_130 = arith.constant 16 : i32
            %add3A_131 = arith.addi %mul3A_129, %add3A_130 : i32
            %get3A_132 = arith.index_cast %add3A_131 : i32 to index
            %get3A_133 = tpu.vector_load %arg9[%get3A_132] {strides = array<i32>} : memref<12288xf32, #tpu.memory_space<vmem>>, vector<16xf32>,
            %mul3A_134 = arith.mulf %get3A_133, %mul3A_93 : vector<16xf32>
            %add3A_135 = arith.addf %mul3A_134, %mul3A_96 : vector<16xf32>
            %slice3A_136 = vector.extract_strided_slice %get3A_108 {offsets = [1], sizes = [1], strides = [1]} : vector<16xf32> to vector<1xf32>
            %squeeze3A_137 = vector.extract %slice3A_136[0] : f32 from vector<1xf32>
            %mul3A_138 = vector.broadcast %squeeze3A_137 : f32 to vector<16xf32>
            %mul3A_139 = arith.mulf %add3A_135, %mul3A_138 : vector<16xf32>
            %slice3A_140 = vector.extract_strided_slice %get3A_112 {offsets = [1], sizes = [1], strides = [1]} : vector<16xf32> to vector<1xf32>
            %squeeze3A_141 = vector.extract %slice3A_140[0] : f32 from vector<1xf32>
            %add3A_142 = vector.broadcast %squeeze3A_141 : f32 to vector<16xf32>
            %add3A_143 = arith.addf %mul3A_139, %add3A_142 : vector<16xf32>
            tpu.vector_store_idx %arg7[%add3A_127], %add3A_143 : memref<49152xf32, #tpu.memory_space<vmem>>[vector<16xi32>], vector<16xf32>,
            %add3A_144 = arith.addi %add3A_127, %broadcast_in_dim3A_5 : vector<16xi32>
            %mul3A_145 = arith.constant 256 : i32
            %mul3A_146 = arith.muli %scan3A_104, %mul3A_145 : i32
            %add3A_147 = arith.constant 32 : i32
            %add3A_148 = arith.addi %mul3A_146, %add3A_147 : i32
            %get3A_149 = arith.index_cast %add3A_148 : i32 to index
            %get3A_150 = tpu.vector_load %arg9[%get3A_149] {strides = array<i32>} : memref<12288xf32, #tpu.memory_space<vmem>>, vector<16xf32>,
            %mul3A_151 = arith.mulf %get3A_150, %mul3A_93 : vector<16xf32>
            %add3A_152 = arith.addf %mul3A_151, %mul3A_96 : vector<16xf32>
            %slice3A_153 = vector.extract_strided_slice %get3A_108 {offsets = [2], sizes = [1], strides = [1]} : vector<16xf32> to vector<1xf32>
            %squeeze3A_154 = vector.extract %slice3A_153[0] : f32 from vector<1xf32>
            %mul3A_155 = vector.broadcast %squeeze3A_154 : f32 to vector<16xf32>
            %mul3A_156 = arith.mulf %add3A_152, %mul3A_155 : vector<16xf32>
            %slice3A_157 = vector.extract_strided_slice %get3A_112 {offsets = [2], sizes = [1], strides = [1]} : vector<16xf32> to vector<1xf32>
            %squeeze3A_158 = vector.extract %slice3A_157[0] : f32 from vector<1xf32>
            %add3A_159 = vector.broadcast %squeeze3A_158 : f32 to vector<16xf32>
            %add3A_160 = arith.addf %mul3A_156, %add3A_159 : vector<16xf32>
            tpu.vector_store_idx %arg7[%add3A_144], %add3A_160 : memref<49152xf32, #tpu.memory_space<vmem>>[vector<16xi32>], vector<16xf32>,
            %add3A_161 = arith.addi %add3A_144, %broadcast_in_dim3A_5 : vector<16xi32>
            %mul3A_162 = arith.constant 256 : i32
            %mul3A_163 = arith.muli %scan3A_104, %mul3A_162 : i32
            %add3A_164 = arith.constant 48 : i32
            %add3A_165 = arith.addi %mul3A_163, %add3A_164 : i32
            %get3A_166 = arith.index_cast %add3A_165 : i32 to index
            %get3A_167 = tpu.vector_load %arg9[%get3A_166] {strides = array<i32>} : memref<12288xf32, #tpu.memory_space<vmem>>, vector<16xf32>,
            %mul3A_168 = arith.mulf %get3A_167, %mul3A_93 : vector<16xf32>
            %add3A_169 = arith.addf %mul3A_168, %mul3A_96 : vector<16xf32>
            %slice3A_170 = vector.extract_strided_slice %get3A_108 {offsets = [3], sizes = [1], strides = [1]} : vector<16xf32> to vector<1xf32>
            %squeeze3A_171 = vector.extract %slice3A_170[0] : f32 from vector<1xf32>
            %mul3A_172 = vector.broadcast %squeeze3A_171 : f32 to vector<16xf32>
            %mul3A_173 = arith.mulf %add3A_169, %mul3A_172 : vector<16xf32>
            %slice3A_174 = vector.extract_strided_slice %get3A_112 {offsets = [3], sizes = [1], strides = [1]} : vector<16xf32> to vector<1xf32>
            %squeeze3A_175 = vector.extract %slice3A_174[0] : f32 from vector<1xf32>
            %add3A_176 = vector.broadcast %squeeze3A_175 : f32 to vector<16xf32>
            %add3A_177 = arith.addf %mul3A_173, %add3A_176 : vector<16xf32>
            tpu.vector_store_idx %arg7[%add3A_161], %add3A_177 : memref<49152xf32, #tpu.memory_space<vmem>>[vector<16xi32>], vector<16xf32>,
            %add3A_178 = arith.addi %add3A_161, %broadcast_in_dim3A_5 : vector<16xi32>
            %mul3A_179 = arith.constant 256 : i32
            %mul3A_180 = arith.muli %scan3A_104, %mul3A_179 : i32
            %add3A_181 = arith.constant 64 : i32
            %add3A_182 = arith.addi %mul3A_180, %add3A_181 : i32
            %get3A_183 = arith.index_cast %add3A_182 : i32 to index
            %get3A_184 = tpu.vector_load %arg9[%get3A_183] {strides = array<i32>} : memref<12288xf32, #tpu.memory_space<vmem>>, vector<16xf32>,
            %mul3A_185 = arith.mulf %get3A_184, %mul3A_93 : vector<16xf32>
            %add3A_186 = arith.addf %mul3A_185, %mul3A_96 : vector<16xf32>
            %slice3A_187 = vector.extract_strided_slice %get3A_108 {offsets = [4], sizes = [1], strides = [1]} : vector<16xf32> to vector<1xf32>
            %squeeze3A_188 = vector.extract %slice3A_187[0] : f32 from vector<1xf32>
            %mul3A_189 = vector.broadcast %squeeze3A_188 : f32 to vector<16xf32>
            %mul3A_190 = arith.mulf %add3A_186, %mul3A_189 : vector<16xf32>
            %slice3A_191 = vector.extract_strided_slice %get3A_112 {offsets = [4], sizes = [1], strides = [1]} : vector<16xf32> to vector<1xf32>
            %squeeze3A_192 = vector.extract %slice3A_191[0] : f32 from vector<1xf32>
            %add3A_193 = vector.broadcast %squeeze3A_192 : f32 to vector<16xf32>
            %add3A_194 = arith.addf %mul3A_190, %add3A_193 : vector<16xf32>
            tpu.vector_store_idx %arg7[%add3A_178], %add3A_194 : memref<49152xf32, #tpu.memory_space<vmem>>[vector<16xi32>], vector<16xf32>,
            %add3A_195 = arith.addi %add3A_178, %broadcast_in_dim3A_5 : vector<16xi32>
            %mul3A_196 = arith.constant 256 : i32
            %mul3A_197 = arith.muli %scan3A_104, %mul3A_196 : i32
            %add3A_198 = arith.constant 80 : i32
            %add3A_199 = arith.addi %mul3A_197, %add3A_198 : i32
            %get3A_200 = arith.index_cast %add3A_199 : i32 to index
            %get3A_201 = tpu.vector_load %arg9[%get3A_200] {strides = array<i32>} : memref<12288xf32, #tpu.memory_space<vmem>>, vector<16xf32>,
            %mul3A_202 = arith.mulf %get3A_201, %mul3A_93 : vector<16xf32>
            %add3A_203 = arith.addf %mul3A_202, %mul3A_96 : vector<16xf32>
            %slice3A_204 = vector.extract_strided_slice %get3A_108 {offsets = [5], sizes = [1], strides = [1]} : vector<16xf32> to vector<1xf32>
            %squeeze3A_205 = vector.extract %slice3A_204[0] : f32 from vector<1xf32>
            %mul3A_206 = vector.broadcast %squeeze3A_205 : f32 to vector<16xf32>
            %mul3A_207 = arith.mulf %add3A_203, %mul3A_206 : vector<16xf32>
            %slice3A_208 = vector.extract_strided_slice %get3A_112 {offsets = [5], sizes = [1], strides = [1]} : vector<16xf32> to vector<1xf32>
            %squeeze3A_209 = vector.extract %slice3A_208[0] : f32 from vector<1xf32>
            %add3A_210 = vector.broadcast %squeeze3A_209 : f32 to vector<16xf32>
            %add3A_211 = arith.addf %mul3A_207, %add3A_210 : vector<16xf32>
            tpu.vector_store_idx %arg7[%add3A_195], %add3A_211 : memref<49152xf32, #tpu.memory_space<vmem>>[vector<16xi32>], vector<16xf32>,
            %add3A_212 = arith.addi %add3A_195, %broadcast_in_dim3A_5 : vector<16xi32>
            %mul3A_213 = arith.constant 256 : i32
            %mul3A_214 = arith.muli %scan3A_104, %mul3A_213 : i32
            %add3A_215 = arith.constant 96 : i32
            %add3A_216 = arith.addi %mul3A_214, %add3A_215 : i32
            %get3A_217 = arith.index_cast %add3A_216 : i32 to index
            %get3A_218 = tpu.vector_load %arg9[%get3A_217] {strides = array<i32>} : memref<12288xf32, #tpu.memory_space<vmem>>, vector<16xf32>,
            %mul3A_219 = arith.mulf %get3A_218, %mul3A_93 : vector<16xf32>
            %add3A_220 = arith.addf %mul3A_219, %mul3A_96 : vector<16xf32>
            %slice3A_221 = vector.extract_strided_slice %get3A_108 {offsets = [6], sizes = [1], strides = [1]} : vector<16xf32> to vector<1xf32>
            %squeeze3A_222 = vector.extract %slice3A_221[0] : f32 from vector<1xf32>
            %mul3A_223 = vector.broadcast %squeeze3A_222 : f32 to vector<16xf32>
            %mul3A_224 = arith.mulf %add3A_220, %mul3A_223 : vector<16xf32>
            %slice3A_225 = vector.extract_strided_slice %get3A_112 {offsets = [6], sizes = [1], strides = [1]} : vector<16xf32> to vector<1xf32>
            %squeeze3A_226 = vector.extract %slice3A_225[0] : f32 from vector<1xf32>
            %add3A_227 = vector.broadcast %squeeze3A_226 : f32 to vector<16xf32>
            %add3A_228 = arith.addf %mul3A_224, %add3A_227 : vector<16xf32>
            tpu.vector_store_idx %arg7[%add3A_212], %add3A_228 : memref<49152xf32, #tpu.memory_space<vmem>>[vector<16xi32>], vector<16xf32>,
            %add3A_229 = arith.addi %add3A_212, %broadcast_in_dim3A_5 : vector<16xi32>
            %mul3A_230 = arith.constant 256 : i32
            %mul3A_231 = arith.muli %scan3A_104, %mul3A_230 : i32
            %add3A_232 = arith.constant 112 : i32
            %add3A_233 = arith.addi %mul3A_231, %add3A_232 : i32
            %get3A_234 = arith.index_cast %add3A_233 : i32 to index
            %get3A_235 = tpu.vector_load %arg9[%get3A_234] {strides = array<i32>} : memref<12288xf32, #tpu.memory_space<vmem>>, vector<16xf32>,
            %mul3A_236 = arith.mulf %get3A_235, %mul3A_93 : vector<16xf32>
            %add3A_237 = arith.addf %mul3A_236, %mul3A_96 : vector<16xf32>
            %slice3A_238 = vector.extract_strided_slice %get3A_108 {offsets = [7], sizes = [1], strides = [1]} : vector<16xf32> to vector<1xf32>
            %squeeze3A_239 = vector.extract %slice3A_238[0] : f32 from vector<1xf32>
            %mul3A_240 = vector.broadcast %squeeze3A_239 : f32 to vector<16xf32>
            %mul3A_241 = arith.mulf %add3A_237, %mul3A_240 : vector<16xf32>
            %slice3A_242 = vector.extract_strided_slice %get3A_112 {offsets = [7], sizes = [1], strides = [1]} : vector<16xf32> to vector<1xf32>
            %squeeze3A_243 = vector.extract %slice3A_242[0] : f32 from vector<1xf32>
            %add3A_244 = vector.broadcast %squeeze3A_243 : f32 to vector<16xf32>
            %add3A_245 = arith.addf %mul3A_241, %add3A_244 : vector<16xf32>
            tpu.vector_store_idx %arg7[%add3A_229], %add3A_245 : memref<49152xf32, #tpu.memory_space<vmem>>[vector<16xi32>], vector<16xf32>,
            %add3A_246 = arith.addi %add3A_229, %broadcast_in_dim3A_5 : vector<16xi32>
            %mul3A_247 = arith.constant 256 : i32
            %mul3A_248 = arith.muli %scan3A_104, %mul3A_247 : i32
            %add3A_249 = arith.constant 128 : i32
            %add3A_250 = arith.addi %mul3A_248, %add3A_249 : i32
            %get3A_251 = arith.index_cast %add3A_250 : i32 to index
            %get3A_252 = tpu.vector_load %arg9[%get3A_251] {strides = array<i32>} : memref<12288xf32, #tpu.memory_space<vmem>>, vector<16xf32>,
            %mul3A_253 = arith.mulf %get3A_252, %mul3A_93 : vector<16xf32>
            %add3A_254 = arith.addf %mul3A_253, %mul3A_96 : vector<16xf32>
            %slice3A_255 = vector.extract_strided_slice %get3A_108 {offsets = [8], sizes = [1], strides = [1]} : vector<16xf32> to vector<1xf32>
            %squeeze3A_256 = vector.extract %slice3A_255[0] : f32 from vector<1xf32>
            %mul3A_257 = vector.broadcast %squeeze3A_256 : f32 to vector<16xf32>
            %mul3A_258 = arith.mulf %add3A_254, %mul3A_257 : vector<16xf32>
            %slice3A_259 = vector.extract_strided_slice %get3A_112 {offsets = [8], sizes = [1], strides = [1]} : vector<16xf32> to vector<1xf32>
            %squeeze3A_260 = vector.extract %slice3A_259[0] : f32 from vector<1xf32>
            %add3A_261 = vector.broadcast %squeeze3A_260 : f32 to vector<16xf32>
            %add3A_262 = arith.addf %mul3A_258, %add3A_261 : vector<16xf32>
            tpu.vector_store_idx %arg7[%add3A_246], %add3A_262 : memref<49152xf32, #tpu.memory_space<vmem>>[vector<16xi32>], vector<16xf32>,
            %add3A_263 = arith.addi %add3A_246, %broadcast_in_dim3A_5 : vector<16xi32>
            %mul3A_264 = arith.constant 256 : i32
            %mul3A_265 = arith.muli %scan3A_104, %mul3A_264 : i32
            %add3A_266 = arith.constant 144 : i32
            %add3A_267 = arith.addi %mul3A_265, %add3A_266 : i32
            %get3A_268 = arith.index_cast %add3A_267 : i32 to index
            %get3A_269 = tpu.vector_load %arg9[%get3A_268] {strides = array<i32>} : memref<12288xf32, #tpu.memory_space<vmem>>, vector<16xf32>,
            %mul3A_270 = arith.mulf %get3A_269, %mul3A_93 : vector<16xf32>
            %add3A_271 = arith.addf %mul3A_270, %mul3A_96 : vector<16xf32>
            %slice3A_272 = vector.extract_strided_slice %get3A_108 {offsets = [9], sizes = [1], strides = [1]} : vector<16xf32> to vector<1xf32>
            %squeeze3A_273 = vector.extract %slice3A_272[0] : f32 from vector<1xf32>
            %mul3A_274 = vector.broadcast %squeeze3A_273 : f32 to vector<16xf32>
            %mul3A_275 = arith.mulf %add3A_271, %mul3A_274 : vector<16xf32>
            %slice3A_276 = vector.extract_strided_slice %get3A_112 {offsets = [9], sizes = [1], strides = [1]} : vector<16xf32> to vector<1xf32>
            %squeeze3A_277 = vector.extract %slice3A_276[0] : f32 from vector<1xf32>
            %add3A_278 = vector.broadcast %squeeze3A_277 : f32 to vector<16xf32>
            %add3A_279 = arith.addf %mul3A_275, %add3A_278 : vector<16xf32>
            tpu.vector_store_idx %arg7[%add3A_263], %add3A_279 : memref<49152xf32, #tpu.memory_space<vmem>>[vector<16xi32>], vector<16xf32>,
            %add3A_280 = arith.addi %add3A_263, %broadcast_in_dim3A_5 : vector<16xi32>
            %mul3A_281 = arith.constant 256 : i32
            %mul3A_282 = arith.muli %scan3A_104, %mul3A_281 : i32
            %add3A_283 = arith.constant 160 : i32
            %add3A_284 = arith.addi %mul3A_282, %add3A_283 : i32
            %get3A_285 = arith.index_cast %add3A_284 : i32 to index
            %get3A_286 = tpu.vector_load %arg9[%get3A_285] {strides = array<i32>} : memref<12288xf32, #tpu.memory_space<vmem>>, vector<16xf32>,
            %mul3A_287 = arith.mulf %get3A_286, %mul3A_93 : vector<16xf32>
            %add3A_288 = arith.addf %mul3A_287, %mul3A_96 : vector<16xf32>
            %slice3A_289 = vector.extract_strided_slice %get3A_108 {offsets = [10], sizes = [1], strides = [1]} : vector<16xf32> to vector<1xf32>
            %squeeze3A_290 = vector.extract %slice3A_289[0] : f32 from vector<1xf32>
            %mul3A_291 = vector.broadcast %squeeze3A_290 : f32 to vector<16xf32>
            %mul3A_292 = arith.mulf %add3A_288, %mul3A_291 : vector<16xf32>
            %slice3A_293 = vector.extract_strided_slice %get3A_112 {offsets = [10], sizes = [1], strides = [1]} : vector<16xf32> to vector<1xf32>
            %squeeze3A_294 = vector.extract %slice3A_293[0] : f32 from vector<1xf32>
            %add3A_295 = vector.broadcast %squeeze3A_294 : f32 to vector<16xf32>
            %add3A_296 = arith.addf %mul3A_292, %add3A_295 : vector<16xf32>
            tpu.vector_store_idx %arg7[%add3A_280], %add3A_296 : memref<49152xf32, #tpu.memory_space<vmem>>[vector<16xi32>], vector<16xf32>,
            %add3A_297 = arith.addi %add3A_280, %broadcast_in_dim3A_5 : vector<16xi32>
            %mul3A_298 = arith.constant 256 : i32
            %mul3A_299 = arith.muli %scan3A_104, %mul3A_298 : i32
            %add3A_300 = arith.constant 176 : i32
            %add3A_301 = arith.addi %mul3A_299, %add3A_300 : i32
            %get3A_302 = arith.index_cast %add3A_301 : i32 to index
            %get3A_303 = tpu.vector_load %arg9[%get3A_302] {strides = array<i32>} : memref<12288xf32, #tpu.memory_space<vmem>>, vector<16xf32>,
            %mul3A_304 = arith.mulf %get3A_303, %mul3A_93 : vector<16xf32>
            %add3A_305 = arith.addf %mul3A_304, %mul3A_96 : vector<16xf32>
            %slice3A_306 = vector.extract_strided_slice %get3A_108 {offsets = [11], sizes = [1], strides = [1]} : vector<16xf32> to vector<1xf32>
            %squeeze3A_307 = vector.extract %slice3A_306[0] : f32 from vector<1xf32>
            %mul3A_308 = vector.broadcast %squeeze3A_307 : f32 to vector<16xf32>
            %mul3A_309 = arith.mulf %add3A_305, %mul3A_308 : vector<16xf32>
            %slice3A_310 = vector.extract_strided_slice %get3A_112 {offsets = [11], sizes = [1], strides = [1]} : vector<16xf32> to vector<1xf32>
            %squeeze3A_311 = vector.extract %slice3A_310[0] : f32 from vector<1xf32>
            %add3A_312 = vector.broadcast %squeeze3A_311 : f32 to vector<16xf32>
            %add3A_313 = arith.addf %mul3A_309, %add3A_312 : vector<16xf32>
            tpu.vector_store_idx %arg7[%add3A_297], %add3A_313 : memref<49152xf32, #tpu.memory_space<vmem>>[vector<16xi32>], vector<16xf32>,
            %add3A_314 = arith.addi %add3A_297, %broadcast_in_dim3A_5 : vector<16xi32>
            %mul3A_315 = arith.constant 256 : i32
            %mul3A_316 = arith.muli %scan3A_104, %mul3A_315 : i32
            %add3A_317 = arith.constant 192 : i32
            %add3A_318 = arith.addi %mul3A_316, %add3A_317 : i32
            %get3A_319 = arith.index_cast %add3A_318 : i32 to index
            %get3A_320 = tpu.vector_load %arg9[%get3A_319] {strides = array<i32>} : memref<12288xf32, #tpu.memory_space<vmem>>, vector<16xf32>,
            %mul3A_321 = arith.mulf %get3A_320, %mul3A_93 : vector<16xf32>
            %add3A_322 = arith.addf %mul3A_321, %mul3A_96 : vector<16xf32>
            %slice3A_323 = vector.extract_strided_slice %get3A_108 {offsets = [12], sizes = [1], strides = [1]} : vector<16xf32> to vector<1xf32>
            %squeeze3A_324 = vector.extract %slice3A_323[0] : f32 from vector<1xf32>
            %mul3A_325 = vector.broadcast %squeeze3A_324 : f32 to vector<16xf32>
            %mul3A_326 = arith.mulf %add3A_322, %mul3A_325 : vector<16xf32>
            %slice3A_327 = vector.extract_strided_slice %get3A_112 {offsets = [12], sizes = [1], strides = [1]} : vector<16xf32> to vector<1xf32>
            %squeeze3A_328 = vector.extract %slice3A_327[0] : f32 from vector<1xf32>
            %add3A_329 = vector.broadcast %squeeze3A_328 : f32 to vector<16xf32>
            %add3A_330 = arith.addf %mul3A_326, %add3A_329 : vector<16xf32>
            tpu.vector_store_idx %arg7[%add3A_314], %add3A_330 : memref<49152xf32, #tpu.memory_space<vmem>>[vector<16xi32>], vector<16xf32>,
            %add3A_331 = arith.addi %add3A_314, %broadcast_in_dim3A_5 : vector<16xi32>
            %mul3A_332 = arith.constant 256 : i32
            %mul3A_333 = arith.muli %scan3A_104, %mul3A_332 : i32
            %add3A_334 = arith.constant 208 : i32
            %add3A_335 = arith.addi %mul3A_333, %add3A_334 : i32
            %get3A_336 = arith.index_cast %add3A_335 : i32 to index
            %get3A_337 = tpu.vector_load %arg9[%get3A_336] {strides = array<i32>} : memref<12288xf32, #tpu.memory_space<vmem>>, vector<16xf32>,
            %mul3A_338 = arith.mulf %get3A_337, %mul3A_93 : vector<16xf32>
            %add3A_339 = arith.addf %mul3A_338, %mul3A_96 : vector<16xf32>
            %slice3A_340 = vector.extract_strided_slice %get3A_108 {offsets = [13], sizes = [1], strides = [1]} : vector<16xf32> to vector<1xf32>
            %squeeze3A_341 = vector.extract %slice3A_340[0] : f32 from vector<1xf32>
            %mul3A_342 = vector.broadcast %squeeze3A_341 : f32 to vector<16xf32>
            %mul3A_343 = arith.mulf %add3A_339, %mul3A_342 : vector<16xf32>
            %slice3A_344 = vector.extract_strided_slice %get3A_112 {offsets = [13], sizes = [1], strides = [1]} : vector<16xf32> to vector<1xf32>
            %squeeze3A_345 = vector.extract %slice3A_344[0] : f32 from vector<1xf32>
            %add3A_346 = vector.broadcast %squeeze3A_345 : f32 to vector<16xf32>
            %add3A_347 = arith.addf %mul3A_343, %add3A_346 : vector<16xf32>
            tpu.vector_store_idx %arg7[%add3A_331], %add3A_347 : memref<49152xf32, #tpu.memory_space<vmem>>[vector<16xi32>], vector<16xf32>,
            %add3A_348 = arith.addi %add3A_331, %broadcast_in_dim3A_5 : vector<16xi32>
            %mul3A_349 = arith.constant 256 : i32
            %mul3A_350 = arith.muli %scan3A_104, %mul3A_349 : i32
            %add3A_351 = arith.constant 224 : i32
            %add3A_352 = arith.addi %mul3A_350, %add3A_351 : i32
            %get3A_353 = arith.index_cast %add3A_352 : i32 to index
            %get3A_354 = tpu.vector_load %arg9[%get3A_353] {strides = array<i32>} : memref<12288xf32, #tpu.memory_space<vmem>>, vector<16xf32>,
            %mul3A_355 = arith.mulf %get3A_354, %mul3A_93 : vector<16xf32>
            %add3A_356 = arith.addf %mul3A_355, %mul3A_96 : vector<16xf32>
            %slice3A_357 = vector.extract_strided_slice %get3A_108 {offsets = [14], sizes = [1], strides = [1]} : vector<16xf32> to vector<1xf32>
            %squeeze3A_358 = vector.extract %slice3A_357[0] : f32 from vector<1xf32>
            %mul3A_359 = vector.broadcast %squeeze3A_358 : f32 to vector<16xf32>
            %mul3A_360 = arith.mulf %add3A_356, %mul3A_359 : vector<16xf32>
            %slice3A_361 = vector.extract_strided_slice %get3A_112 {offsets = [14], sizes = [1], strides = [1]} : vector<16xf32> to vector<1xf32>
            %squeeze3A_362 = vector.extract %slice3A_361[0] : f32 from vector<1xf32>
            %add3A_363 = vector.broadcast %squeeze3A_362 : f32 to vector<16xf32>
            %add3A_364 = arith.addf %mul3A_360, %add3A_363 : vector<16xf32>
            tpu.vector_store_idx %arg7[%add3A_348], %add3A_364 : memref<49152xf32, #tpu.memory_space<vmem>>[vector<16xi32>], vector<16xf32>,
            %add3A_365 = arith.addi %add3A_348, %broadcast_in_dim3A_5 : vector<16xi32>
            %mul3A_366 = arith.constant 256 : i32
            %mul3A_367 = arith.muli %scan3A_104, %mul3A_366 : i32
            %add3A_368 = arith.constant 240 : i32
            %add3A_369 = arith.addi %mul3A_367, %add3A_368 : i32
            %get3A_370 = arith.index_cast %add3A_369 : i32 to index
            %get3A_371 = tpu.vector_load %arg9[%get3A_370] {strides = array<i32>} : memref<12288xf32, #tpu.memory_space<vmem>>, vector<16xf32>,
            %mul3A_372 = arith.mulf %get3A_371, %mul3A_93 : vector<16xf32>
            %add3A_373 = arith.addf %mul3A_372, %mul3A_96 : vector<16xf32>
            %slice3A_374 = vector.extract_strided_slice %get3A_108 {offsets = [15], sizes = [1], strides = [1]} : vector<16xf32> to vector<1xf32>
            %squeeze3A_375 = vector.extract %slice3A_374[0] : f32 from vector<1xf32>
            %mul3A_376 = vector.broadcast %squeeze3A_375 : f32 to vector<16xf32>
            %mul3A_377 = arith.mulf %add3A_373, %mul3A_376 : vector<16xf32>
            %slice3A_378 = vector.extract_strided_slice %get3A_112 {offsets = [15], sizes = [1], strides = [1]} : vector<16xf32> to vector<1xf32>
            %squeeze3A_379 = vector.extract %slice3A_378[0] : f32 from vector<1xf32>
            %add3A_380 = vector.broadcast %squeeze3A_379 : f32 to vector<16xf32>
            %add3A_381 = arith.addf %mul3A_377, %add3A_380 : vector<16xf32>
            tpu.vector_store_idx %arg7[%add3A_365], %add3A_381 : memref<49152xf32, #tpu.memory_space<vmem>>[vector<16xi32>], vector<16xf32>,
            %add3A_382 = arith.addi %add3A_365, %broadcast_in_dim3A_5 : vector<16xi32>
            scf.yield %add3A_382 : vector<16xi32>
          }
          %scan3A_102 = arith.constant 48 : i32
          %scan3A_103 = arith.constant 0 : i32
          scf.yield %scan3A_103 : i32
        }
        %scan3A_40 = arith.constant 4 : i32
        "tpu.region"() ({
          %run_scoped3A = tpu.sem_alloc : memref<!tpu.dma_semaphore, #tpu.memory_space<semaphore_mem>>
          %dma_start3A = tpu.memref_slice %arg6[%mul3A_33] : memref<25165824xf32, #tpu.memory_space<hbm>> -> memref<49152xf32, #tpu.memory_space<hbm>>
          %dma_start3A_42 = tpu.memref_slice %arg6[%mul3A_33] : memref<25165824xf32, #tpu.memory_space<hbm>> -> memref<49152xf32, #tpu.memory_space<hbm>>
          tpu.enqueue_dma source(%arg7 : memref<49152xf32, #tpu.memory_space<vmem>>) target(%dma_start3A_42 : memref<49152xf32, #tpu.memory_space<hbm>>) target_semaphore(%run_scoped3A : memref<!tpu.dma_semaphore, #tpu.memory_space<semaphore_mem>>)
          %dma_wait3A = tpu.memref_slice %arg6[%mul3A_33] : memref<25165824xf32, #tpu.memory_space<hbm>> -> memref<49152xf32, #tpu.memory_space<hbm>>
          %dma_wait3A_43 = tpu.memref_slice %arg6[%mul3A_33] : memref<25165824xf32, #tpu.memory_space<hbm>> -> memref<49152xf32, #tpu.memory_space<hbm>>
          tpu.wait_dma2 semaphore(%run_scoped3A : memref<!tpu.dma_semaphore, #tpu.memory_space<semaphore_mem>>) src(%arg7 : memref<49152xf32, #tpu.memory_space<vmem>>) dst(%dma_wait3A_43 : memref<49152xf32, #tpu.memory_space<hbm>>)
          tpu.yield
        }) : () -> ()
        %scan3A_41 = arith.constant 0 : i32
        scf.yield %scan3A_41 : i32
      }
      %scan3A_25 = arith.constant 4 : i32
      %scan3A_26 = arith.constant 0 : i32
      scf.yield %scan3A_26 : i32
    }
    %scan3A_11 = arith.constant 4 : i32
    return
  }
}

</mosaic_0001>

<sc_bundles>
// kernel: kernel.3.cloned.1.call-start
scs
__scs_entry_jumppad:
0x0: {  	(pc) =	sbr.rel $0x88, $3  }
0x1: {  	(tag) =	ssettag $0x0;
	lr =	simm.s32 $0x1  }
0x2: {  	[smem:$0x3F9D] =	sst lr;
	_ =	strace $0xD0000000  }
0x3: {  	_ = 	snop  }
0x4: {  	_ = 	snop  }
0x5: {  	_ = 	snop  }
0x6: {  	_ = 	snop  }
0x7: {  	_ = 	snop  }
__scs_overlays_trampoline_lowered:
0x8: {  	[smem:$0x3FAC] =	sst s0  }
0x9: {  	[smem:$0x3FAD] =	sst s1  }
0xa: {  	[smem:$0x3FAE] =	sst s2  }
0xb: {  	[smem:$0x3FAF] =	sst s3  }
0xc: {  	[smem:$0x3FB0] =	sst s4  }
0xd: {  	[smem:$0x3FB1] =	sst s5  }
0xe: {  	[smem:$0x3FB2] =	sst s6  }
0xf: {  	[smem:$0x3FB3] =	sst s7  }
0x10: {  	[smem:$0x3FB4] =	sst s8  }
0x11: {  	[smem:$0x3FB5] =	sst s9;
	s0 =	simm.s32 @!p0 $0x0  }
0x12: {  	s1 =	sld [smem:$0x3F9B];
	s0 =	simm.s32 @p0 $0x1  }
0x13: {  	[smem:$0x3FB6] =	sst s0;
	s0 =	simm.s32 @!p1 $0x0  }
0x14: {  	s2 =	sld [smem:$0x3F9A];
	s0 =	simm.s32 @p1 $0x1  }
0x15: {  	[smem:$0x3FB7] =	sst s0;
	s0 =	simm.s32 @!p2 $0x0  }
0x16: {  	s3 =	sld [smem:$0x3FDB];
	s0 =	simm.s32 @p2 $0x1  }
0x17: {  	s4 =	simm.s32 $0x1BF5;
	[smem:$0x3FB9] =	sst s0  }
0x18: {  	s0 =	sld [smem:$0x3F9C];
	_ =	swait.ge [sflag:s4], $0x0  }
0x19: {  	s7 =	sld [smem:$0x3F9D]  }
0x1a: {  	s8 =	sadd.s32 $0xFFFFE003, lr  }
0x1b: {  	s9 =	sadd.s32 $0xFFFFFEF7, lr;
	s5 =	simm.s32 $0xFFFFFFFF;
	p2 =	slt.u32 s8, $0xFFFFF086  }
0x1c: {  	p1 =	slt.u32 s9, $0xF7A;
	s5 =	simm.s32 @!p2 $0x0  }
0x1d: {  	s5 =	simm.s32 @p1 $0x1;
	p0 =	seq.s32 s7, s2  }
0x1e: {  	s7 =	smul.u32 @!p0 $0xF7A, s2;
	p2 =	seq.s32 @!p0 s5, $0x0  }
0x1f: {  	s9 =	smul.u32 $0xF7A, s1;
	s8 =	simm.s32 @!p0 $0x1BF5;
	p2 =	por !p2, p0  }
0x20: {  	[sflag:s8] =	ssyncset.s32 @!p0 $0xFFFFF086;
	s6 =	sadd.s32 @!p0 s3, s7;
	s7 =	simm.s32 @!p0 $0x108  }
0x21: {  	s3 =	sadd.s32 s3, s9;
	s6 =	sadd.s32 @!p0 $0x88, s6;
	s7 =	simm.s32 @p2 $0x1082  }
0x22: {  	[simem:s7], [sflag:s8] =	dma.local @!p0 [hbm:s6], $0xF7A  }
0x23: {  	s9 =	sor.u32 $0xD0000000, s2;
	s6 =	simm.s32 $0x108;
	_ =	swait.ge @!p0 [sflag:s8], $0x0  }
0x24: {  	s3 =	sadd.s32 $0x88, s3;
	s6 =	simm.s32 @!p1 $0x1082;
	[sflag:s4] =	ssyncset.s32 $0xFFFFF086  }
0x25: {  	[simem:s6], [sflag:s4] =	dma.local [hbm:s3], $0xF7A  }
0x26: {  	[smem:$0x3F9D] =	sst s1;
	(tag) =	ssettag s2;
	_ =	strace s9  }
0x27: {  	s1 =	sld [smem:$0x3FAD]  }
0x28: {  	s2 =	sld [smem:$0x3FAE]  }
0x29: {  	s4 =	sld [smem:$0x3FB0]  }
0x2a: {  	p0 =	seq.s32 s5, $0x0;
	s5 =	sld [smem:$0x3FB1]  }
0x2b: {  	s6 =	sld [smem:$0x3FB2]  }
0x2c: {  	s7 =	sld [smem:$0x3FB3]  }
0x2d: {  	s3 =	simm.s32 $0x108;
	s8 =	sld [smem:$0x3FB4]  }
0x2e: {  	s3 =	simm.s32 @!p0 $0x1082;
	s9 =	sld [smem:$0x3FB5]  }
0x2f: {  	lr =	sadd.s32 s0, s3;
	s0 =	sld [smem:$0x3FAC]  }
0x30: {  	s3 =	sld [smem:$0x3FAF]  }
0x31: {  	[smem:$0x3FB8] =	sst s10  }
0x32: {  	s10 =	sld [smem:$0x3FB6];
	_ =	sdelay $0x3  }
0x33: {  	p0 =	seq.s32 s10, $0x1;
	s10 =	sld [smem:$0x3FB8];
	_ =	sdelay $0x3  }
0x34: {  	[smem:$0x3FB8] =	sst s10  }
0x35: {  	s10 =	sld [smem:$0x3FB7];
	_ =	sdelay $0x3  }
0x36: {  	p1 =	seq.s32 s10, $0x1;
	s10 =	sld [smem:$0x3FB8];
	_ =	sdelay $0x3  }
0x37: {  	[smem:$0x3FB8] =	sst s10  }
0x38: {  	s10 =	sld [smem:$0x3FB9]  }
0x39: {  	_ = 	snop;
	(pc) =	sbr.ind lr, $3  }
0x3a: {  	_ = 	snop  }
0x3b: {  	_ = 	snop  }
0x3c: {  	p2 =	seq.s32 s10, $0x1;
	s10 =	sld [smem:$0x3FB8]  }
0x3d: {  	_ =	shalt  }
0x3e: {  	_ =	shalt  }
0x3f: {  	_ =	shalt  }
0x40: {  	_ =	shalt  }
0x41: {  	_ =	shalt  }
0x42: {  	_ =	shalt  }
0x43: {  	_ =	shalt  }
0x44: {  	_ =	shalt  }
0x45: {  	_ =	shalt  }
0x46: {  	_ =	shalt  }
0x47: {  	_ =	shalt  }
0x48: {  	_ =	shalt  }
0x49: {  	_ =	shalt  }
0x4a: {  	_ =	shalt  }
0x4b: {  	_ =	shalt  }
0x4c: {  	_ =	shalt  }
0x4d: {  	_ =	shalt  }
0x4e: {  	_ =	shalt  }
0x4f: {  	_ =	shalt  }
0x50: {  	_ =	shalt  }
0x51: {  	_ =	shalt  }
0x52: {  	_ =	shalt  }
0x53: {  	_ =	shalt  }
0x54: {  	_ =	shalt  }
0x55: {  	_ =	shalt  }
0x56: {  	_ =	shalt  }
0x57: {  	_ =	shalt  }
0x58: {  	_ =	shalt  }
0x59: {  	_ =	shalt  }
0x5a: {  	_ =	shalt  }
0x5b: {  	_ =	shalt  }
0x5c: {  	_ =	shalt  }
0x5d: {  	_ =	shalt  }
0x5e: {  	_ =	shalt  }
0x5f: {  	_ =	shalt  }
0x60: {  	_ =	shalt  }
0x61: {  	_ =	shalt  }
0x62: {  	_ =	shalt  }
0x63: {  	_ =	shalt  }
0x64: {  	_ =	shalt  }
0x65: {  	_ =	shalt  }
0x66: {  	_ =	shalt  }
0x67: {  	_ =	shalt  }
0x68: {  	_ =	shalt  }
0x69: {  	_ =	shalt  }
0x6a: {  	_ =	shalt  }
0x6b: {  	_ =	shalt  }
0x6c: {  	_ =	shalt  }
0x6d: {  	_ =	shalt  }
0x6e: {  	_ =	shalt  }
0x6f: {  	_ =	shalt  }
0x70: {  	_ =	shalt  }
0x71: {  	_ =	shalt  }
0x72: {  	_ =	shalt  }
0x73: {  	_ =	shalt  }
0x74: {  	_ =	shalt  }
0x75: {  	_ =	shalt  }
0x76: {  	_ =	shalt  }
0x77: {  	_ =	shalt  }
0x78: {  	_ =	shalt  }
0x79: {  	_ =	shalt  }
0x7a: {  	_ =	shalt  }
0x7b: {  	_ =	shalt  }
0x7c: {  	_ =	shalt  }
0x7d: {  	_ =	shalt  }
0x7e: {  	_ =	shalt  }
0x7f: {  	_ =	shalt  }
0x80: {  	_ =	shalt  }
0x81: {  	_ =	shalt  }
0x82: {  	_ =	shalt  }
0x83: {  	_ =	shalt  }
0x84: {  	_ =	shalt  }
0x85: {  	_ =	shalt  }
0x86: {  	_ =	shalt  }
0x87: {  	_ =	shalt  }
.Lfunc_end0:
.L_simem_size_0:
called_computation_lowered:
.L_overlay_start_0:
0x88: {  	s2 =	sld [smem:$0x3FD9]  }
0x89: {  	s3 =	sld [smem:$0x3FFE];
	_ =	sdelay $0x1  }
0x8a: {  	s1 =	srdreg.scid  }
0x8b: {  	s0 =	sand.u32 $0x1, s1  }
0x8c: {  	s17 =	sshll.u32 s0, $0xA;
	s2 =	sadd.s32 s3, s2  }
0x8d: {  	s2 =	sadd.s32 s2, s17  }
0x8e: {  	[smem:$0x3FC4] =	sst s2  }
0x8f: {  	_ = 	snop  }
0x90: {  	s2 =	sld [smem:$0x3FC7]  }
0x91: {  	s18 =	sld [smem:$0x3FC6]  }
0x92: {  	s4 =	sld [smem:$0x3FD0];
	(tm) =	ssettm $0x1  }
0x93: {  	s5 =	sld [smem:$0x3FFB];
	_ =	sdelay $0x3  }
0x94: {  	_ =	strace s5  }
0x95: {  	s5 =	sld [smem:$0x3FFC];
	_ =	sdelay $0x3  }
0x96: {  	_ =	strace s5  }
0x97: {  	s5 =	sld [smem:$0x3FFD];
	_ =	sdelay $0x3  }
0x98: {  	_ =	strace s5  }
0x99: {  	_ =	strace $0x8FFFFFFF  }
0x9a: {  	s19 =	sld [smem:$0x3FDB];
	_ =	sdelay $0x1  }
0x9b: {  	s6 =	simm.s32 $_scs_section_size  }
0x9c: {  	s7 =	simm.s32 $_size__tile_overlayer_lowered;
	s8 =	simm.s32 $_tile_overlayer_lowered  }
0x9d: {  	s22 =	simm.s32 $0x1BFF;
	s21 =	sshll.u32 s8, $0x1;
	s5 =	sadd.s32 s6, s19  }
0x9e: {  	s9 =	simm.s32 $0x0;
	s20 =	sshll.u32 s7, $0x1;
	s7 =	sadd.s32 s21, s5  }
0x9f: {  	[timem:s9], [sflag:s22] =	dma.local [hbm:s7], s20  }
0xa0: {  	_ =	swait.ge [sflag:s22], s20  }
0xa1: {  	s6 =	ssub.s32 $0x0, s20;
	[sflag:s22] =	ssyncset.done $0x0  }
0xa2: {  	[sflag:s22] =	ssyncadd.s32 s6;
	_ =	sdelay $0x1  }
0xa3: {  	s23 =	simm.s32 $0x1B8B  }
0xa4: {  	_ =	swait.ge [sflag:s23], $0x1  }
0xa5: {  	[sflag:s23] =	ssyncset.done $0x0  }
0xa6: {  	s25 =	simm.s32 $0x1B8E;
	s24 =	sld [smem:$0x3FFE];
	[sflag:s23] =	ssyncadd.s32 $0xFFFFFFFF  }
0xa7: {  	s26 =	simm.s32 $execute0_lowered;
	[smem:$0x3FD2] =	sst s25  }
0xa8: {  	s7 =	sshll.u32 s26, $0x1;
	_ =	strace $0x80000046;
	[dreg:$0x1] =	wrdreg $0xFFFFFFFF  }
0xa9: {  	s28 =	simm.s32 $_size_execute0_lowered;
	s5 =	sadd.s32 s5, s7;
	[dreg:$0x0] =	wrdreg $0x0  }
0xaa: {  	s7 =	sshll.u32 s28, $0x1;
	[dreg:$0x2] =	wrdreg s5  }
0xab: {  	[dreg:$0x3] =	wrdreg s7  }
0xac: {  	[dreg:$0x4] =	wrdreg $0xC0  }
0xad: {  	_ =	task [dreg:s9], $0x5FFFF  }
0xae: {  	[dreg:$0x1] =	wrdreg $0xFFFFFFFF  }
0xaf: {  	[dreg:$0x0] =	wrdreg $0x60  }
0xb0: {  	[dreg:$0x2] =	wrdreg s4  }
0xb1: {  	[dreg:$0x3] =	wrdreg s24  }
0xb2: {  	[dreg:$0x4] =	wrdreg s2  }
0xb3: {  	[dreg:$0x5] =	wrdreg s18  }
0xb4: {  	[dreg:$0x6] =	wrdreg $0x9  }
0xb5: {  	_ =	task.clear_ibuf [dreg:s9], $0x7FFFF;
	_ =	strace $0x90000046  }
0xb6: {  	s29 =	simm.s32 $0x9;
	_ =	strace $0x80000048  }
0xb7: {  	_ =	swait.ge [sflag:s29], $0x1  }
0xb8: {  	[sflag:s29] =	ssyncadd.s32 $0xFFFFFFFF  }
0xb9: {  	_ =	strace $0x90000048  }
0xba: {  	_ =	sfence  }
0xbb: {  	s30 =	sld [smem:$0x0];
	_ =	sdelay $0x2  }
0xbc: {  	s31 =	sshll.u32 s1, $0xD;
	s1 =	sshrl.u32 s1, $0x2  }
0xbd: {  	s3 =	sand.u32 $0x4000, s31;
	s1 =	sadd.s32 s1, s30  }
0xbe: {  	s0 =	sor.u32 s3, s0;
	s1 =	sshll.u32 s1, $0x11  }
0xbf: {  	s0 =	sor.u32 s1, s0  }
0xc0: {  	s0 =	sadd.s32 $0x8F2B, s0  }
0xc1: {  	[sflag:s0] =	ssyncadd.remote.s32 $0x1  }
0xc2: {  	_ =	sfence.sel $0xFFFF  }
0xc3: {  	[dreg:$0x0] =	wrdreg $0xFFFFFFFF;
	(pc) =	sbr.abs _section_cstart, $3  }
0xc4: {  	[dreg:$0x1] =	wrdreg $0xFFFFFFFF  }
0xc5: {  	_ =	task.clear_ibuf [dreg:s9], $0x2FFFF;
	_ =	strace $0x9FFFFFFF  }
0xc6: {  	(tm) =	ssettm $0x7FFFFFFF  }
0xc7: {  	_ =	shalt  }
tec
execute0_lowered:
.L_overlay_start_1:
0x0: {  	(tag) =	ssettag $0x1  }
0x1: {  	s1 =	rddreg [dreg:$0x0]  }
0x2: {  	s7 =	rddreg [dreg:$0x1]  }
0x3: {  	s2 =	rddreg [dreg:$0x2]  }
0x4: {  	s3 =	rddreg [dreg:$0x3]  }
0x5: {  	s0 =	rddreg [dreg:$0x4];
	s4 =	simm.s32 $0x0;
	s5 =	srdreg.scid  }
0x6: {  	s12 =	simm.s32 $0x1B300;
	s13 =	simm.s32 $0xC000;
	s14 =	simm.s32 $0x0  }
0x7: {  	[smem:$0x7FF] =	sst s4;
	s8 =	sand.u32 $0x1, s5;
	s6 =	sadd.s32 $0x400, s7  }
0x8: {  	s5 =	stileid.u32;
	s7 =	sadd.s32 $0xC0400, s7;
	s9 =	ssub.s32 $0x2, s8  }
0x9: {  	s11 =	sshll.u32 s5, $0x9;
	s8 =	sshll.u32 s8, $0x8;
	s10 =	sshrl.u32 s9, $0x1  }
0xa: {  	v0 =	vlaneseq.u32;
	_ =	strace $0x80000047;
	s8 =	sor.u32 s8, s11;
	s9 =	ssub.s32 s9, s10  }
0xb: {  	v0 =	vmul.u32 $0x300, v0;
	s11 =	simm.s32 $0x1;
	s10 =	simm.s32 $0x1B000;
	s9 =	smax.u32 s9, $0x1  }
.LBB2_1:
0xc: {  	[tilespmem:s10], [sflag:$0x1] =	stream.linear.gather [hbm4b:s2+s4], $0x300, $0x38;
	[tilespmem:$0x1B600] =	vst v63  }
0xd: {  	_ =	swait.ge [sflag:s11], $0x300  }
0xe: {  	[sflag:s11] =	ssyncset.done $0x0  }
0xf: {  	[sflag:s11] =	ssyncadd.s32 $0xFFFFFD00  }
0x10: {  	[tilespmem:s12], [sflag:$0x1] =	stream.linear.gather [hbm4b:s3+s4], $0x300, $0x38;
	[tilespmem:$0x1B600] =	vst v63  }
0x11: {  	_ =	swait.ge [sflag:s11], $0x300  }
0x12: {  	[sflag:s11] =	ssyncset.done $0x0  }
0x13: {  	s15 =	simm.s32 $0x0;
	[sflag:s11] =	ssyncadd.s32 $0xFFFFFD00  }
.LBB2_2:
0x14: {  	s16 =	sshll.u32 s15, $0x6  }
0x15: {  	s16 =	sadd.s32 s8, s16  }
0x16: {  	s17 =	smul.u32 $0x60, s16;
	_ =	sdelay $0x1  }
0x17: {  	s18 =	sadd.s32 s6, s17;
	s17 =	simm.s32 $0x0  }
0x18: {  	[tilespmem:s13], [sflag:$0x1] =	stream.linear.gather [hbm4b:s18+s17], $0xC000, $0x38;
	[tilespmem:$0x1B600] =	vst v63  }
0x19: {  	_ =	swait.ge [sflag:s11], $0xC000  }
0x1a: {  	[sflag:s11] =	ssyncset.done $0x0  }
0x1b: {  	s18 =	simm.s32 $0x0;
	[sflag:s11] =	ssyncadd.s32 $0xFFFF4000  }
.LBB2_3:
0x1c: {  	s19 =	sshll.u32 s18, $0xD  }
0x1d: {  	s19 =	sadd.s32 s16, s19  }
0x1e: {  	s19 =	smul.u32 $0x60, s19;
	_ =	sdelay $0x1  }
0x1f: {  	s20 =	sadd.s32 s1, s19  }
0x20: {  	[tilespmem:s17], [sflag:$0x1] =	stream.linear.gather [hbm4b:s20+s17], $0xC000, $0x38;
	[tilespmem:$0x1B600] =	vst v63  }
0x21: {  	_ =	swait.ge [sflag:s11], $0xC000  }
0x22: {  	[sflag:s11] =	ssyncset.done $0x0  }
0x23: {  	s20 =	simm.s32 $0x0;
	[sflag:s11] =	ssyncadd.s32 $0xFFFF4000  }
.LBB2_4:
0x24: {  	s21 =	sshll.u32 s20, $0x4  }
0x25: {  	v1 =	vmov s21  }
0x26: {  	v1 =	vmul.u32 $0x300, v1;
	_ =	sdelay $0x1  }
0x27: {  	v1 =	vbroadcast v1, $0x0;
	_ =	sdelay $0x1  }
0x28: {  	v1 =	vadd.s32 v0, v1;
	_ =	sdelay $0x4  }
0x29: {  	v2 =	vld.idx.msk [tilespmem:v1+s4+$0x0], $0xffff  }
0x2a: {  	v3 =	vld.idx.msk [tilespmem:v1+s13+$0x0], $0xffff;
	_ =	sdelay $0x2  }
0x2b: {  	v17 =	vor.u32 $0x1, v1;
	_ =	sdelay $0x1  }
0x2c: {  	v2 =	vadd.f32 v3, v2  }
0x2d: {  	s21 =	simm.s32 $0x18080  }
0x2e: {  	[tilespmem:s21+$0xFFFFFF80] =	vst v2  }
0x2f: {  	v3 =	vld.idx.msk [tilespmem:v17+s4+$0x0], $0xffff  }
0x30: {  	v4 =	vld.idx.msk [tilespmem:v17+s13+$0x0], $0xffff;
	_ =	sdelay $0x2  }
0x31: {  	v16 =	vor.u32 $0x2, v1;
	_ =	sdelay $0x1  }
0x32: {  	v3 =	vadd.f32 v4, v3;
	_ =	sdelay $0x1  }
0x33: {  	[tilespmem:s21+$0xFFFFFF90] =	vst v3  }
0x34: {  	v4 =	vld.idx.msk [tilespmem:v16+s4+$0x0], $0xffff  }
0x35: {  	v5 =	vld.idx.msk [tilespmem:v16+s13+$0x0], $0xffff;
	_ =	sdelay $0x2  }
0x36: {  	v14 =	vor.u32 $0x3, v1;
	_ =	sdelay $0x1  }
0x37: {  	v10 =	vadd.f32 v5, v4;
	_ =	sdelay $0x1  }
0x38: {  	[tilespmem:s21+$0xFFFFFFA0] =	vst v10  }
0x39: {  	v4 =	vld.idx.msk [tilespmem:v14+s4+$0x0], $0xffff  }
0x3a: {  	v5 =	vld.idx.msk [tilespmem:v14+s13+$0x0], $0xffff;
	_ =	sdelay $0x2  }
0x3b: {  	v13 =	vor.u32 $0x4, v1;
	_ =	sdelay $0x1  }
0x3c: {  	v15 =	vadd.f32 v5, v4;
	_ =	sdelay $0x1  }
0x3d: {  	[tilespmem:s21+$0xFFFFFFB0] =	vst v15  }
0x3e: {  	v4 =	vld.idx.msk [tilespmem:v13+s4+$0x0], $0xffff  }
0x3f: {  	v5 =	vld.idx.msk [tilespmem:v13+s13+$0x0], $0xffff;
	_ =	sdelay $0x2  }
0x40: {  	v12 =	vor.u32 $0x5, v1;
	_ =	sdelay $0x1  }
0x41: {  	v18 =	vadd.f32 v5, v4;
	_ =	sdelay $0x1  }
0x42: {  	[tilespmem:s21+$0xFFFFFFC0] =	vst v18  }
0x43: {  	v4 =	vld.idx.msk [tilespmem:v12+s4+$0x0], $0xffff  }
0x44: {  	v5 =	vld.idx.msk [tilespmem:v12+s13+$0x0], $0xffff;
	_ =	sdelay $0x2  }
0x45: {  	v11 =	vor.u32 $0x6, v1;
	_ =	sdelay $0x1  }
0x46: {  	v19 =	vadd.f32 v5, v4;
	_ =	sdelay $0x1  }
0x47: {  	[tilespmem:s21+$0xFFFFFFD0] =	vst v19  }
0x48: {  	v4 =	vld.idx.msk [tilespmem:v11+s4+$0x0], $0xffff  }
0x49: {  	v5 =	vld.idx.msk [tilespmem:v11+s13+$0x0], $0xffff;
	_ =	sdelay $0x2  }
0x4a: {  	v9 =	vor.u32 $0x7, v1;
	_ =	sdelay $0x1  }
0x4b: {  	v20 =	vadd.f32 v5, v4;
	_ =	sdelay $0x1  }
0x4c: {  	[tilespmem:s21+$0xFFFFFFE0] =	vst v20  }
0x4d: {  	v4 =	vld.idx.msk [tilespmem:v9+s4+$0x0], $0xffff  }
0x4e: {  	v5 =	vld.idx.msk [tilespmem:v9+s13+$0x0], $0xffff;
	_ =	sdelay $0x2  }
0x4f: {  	v8 =	vor.u32 $0x8, v1;
	_ =	sdelay $0x1  }
0x50: {  	v21 =	vadd.f32 v5, v4;
	_ =	sdelay $0x1  }
0x51: {  	[tilespmem:s21+$0xFFFFFFF0] =	vst v21  }
0x52: {  	v4 =	vld.idx.msk [tilespmem:v8+s4+$0x0], $0xffff  }
0x53: {  	v5 =	vld.idx.msk [tilespmem:v8+s13+$0x0], $0xffff;
	_ =	sdelay $0x2  }
0x54: {  	v7 =	vor.u32 $0x9, v1;
	_ =	sdelay $0x1  }
0x55: {  	v22 =	vadd.f32 v5, v4;
	_ =	sdelay $0x1  }
0x56: {  	[tilespmem:s21+$0x0] =	vst v22  }
0x57: {  	v4 =	vld.idx.msk [tilespmem:v7+s4+$0x0], $0xffff  }
0x58: {  	v5 =	vld.idx.msk [tilespmem:v7+s13+$0x0], $0xffff;
	_ =	sdelay $0x2  }
0x59: {  	v6 =	vor.u32 $0xA, v1;
	_ =	sdelay $0x1  }
0x5a: {  	v23 =	vadd.f32 v5, v4;
	_ =	sdelay $0x1  }
0x5b: {  	[tilespmem:s21+$0x10] =	vst v23  }
0x5c: {  	v5 =	vld.idx.msk [tilespmem:v6+s4+$0x0], $0xffff  }
0x5d: {  	v24 =	vld.idx.msk [tilespmem:v6+s13+$0x0], $0xffff;
	_ =	sdelay $0x2  }
0x5e: {  	v4 =	vor.u32 $0xB, v1;
	_ =	sdelay $0x1  }
0x5f: {  	v24 =	vadd.f32 v24, v5;
	_ =	sdelay $0x1  }
0x60: {  	[tilespmem:s21+$0x20] =	vst v24  }
0x61: {  	v25 =	vld.idx.msk [tilespmem:v4+s4+$0x0], $0xffff  }
0x62: {  	v26 =	vld.idx.msk [tilespmem:v4+s13+$0x0], $0xffff  }
0x63: {  	v28 =	vimm.f32 $0.0e+00;
	v27 =	vmul.f32 v2, v2  }
0x64: {  	v2 =	vadd.f32 v2, v28  }
0x65: {  	v27 =	vadd.f32 v27, v28;
	v29 =	vmul.f32 v3, v3;
	v5 =	vor.u32 $0xC, v1  }
0x66: {  	v2 =	vadd.f32 v3, v2  }
0x67: {  	v3 =	vadd.f32 v29, v27;
	v60 =	vmul.f32 v10, v10;
	v25 =	vadd.f32 v26, v25  }
0x68: {  	v2 =	vadd.f32 v10, v2  }
0x69: {  	v3 =	vadd.f32 v60, v3;
	v61 =	vmul.f32 v15, v15;
	[tilespmem:s21+$0x30] =	vst v25  }
0x6a: {  	v2 =	vadd.f32 v15, v2;
	v62 =	vld.idx.msk [tilespmem:v5+s4+$0x0], $0xffff  }
0x6b: {  	v3 =	vadd.f32 v61, v3;
	v10 =	vmul.f32 v18, v18;
	v63 =	vld.idx.msk [tilespmem:v5+s13+$0x0], $0xffff  }
0x6c: {  	v2 =	vadd.f32 v18, v2  }
0x6d: {  	v3 =	vadd.f32 v10, v3;
	v15 =	vmul.f32 v19, v19  }
0x6e: {  	v10 =	vor.u32 $0xD, v1;
	v2 =	vadd.f32 v19, v2  }
0x6f: {  	v3 =	vadd.f32 v15, v3;
	v18 =	vmul.f32 v20, v20  }
0x70: {  	v2 =	vadd.f32 v20, v2;
	v19 =	vadd.f32 v63, v62  }
0x71: {  	v3 =	vadd.f32 v18, v3;
	v15 =	vmul.f32 v21, v21  }
0x72: {  	v2 =	vadd.f32 v21, v2;
	[tilespmem:s21+$0x40] =	vst v19  }
0x73: {  	v3 =	vadd.f32 v15, v3;
	v18 =	vmul.f32 v22, v22;
	v20 =	vld.idx.msk [tilespmem:v10+s4+$0x0], $0xffff  }
0x74: {  	v2 =	vadd.f32 v22, v2;
	v21 =	vld.idx.msk [tilespmem:v10+s13+$0x0], $0xffff  }
0x75: {  	v3 =	vadd.f32 v18, v3;
	v15 =	vmul.f32 v23, v23  }
0x76: {  	v2 =	vadd.f32 v23, v2  }
0x77: {  	v3 =	vadd.f32 v15, v3;
	v15 =	vor.u32 $0xE, v1;
	v18 =	vmul.f32 v24, v24  }
0x78: {  	v2 =	vadd.f32 v24, v2  }
0x79: {  	v3 =	vadd.f32 v18, v3;
	v18 =	vadd.f32 v21, v20  }
0x7a: {  	v22 =	vmul.f32 v25, v25;
	v2 =	vadd.f32 v25, v2  }
0x7b: {  	[tilespmem:s21+$0x50] =	vst v18  }
0x7c: {  	v3 =	vadd.f32 v22, v3;
	v2 =	vadd.f32 v19, v2;
	v20 =	vmul.f32 v19, v19;
	v19 =	vld.idx.msk [tilespmem:v15+s4+$0x0], $0xffff  }
0x7d: {  	v21 =	vld.idx.msk [tilespmem:v15+s13+$0x0], $0xffff  }
0x7e: {  	v22 =	vmul.f32 v18, v18;
	v3 =	vadd.f32 v20, v3;
	_ =	sdelay $0x1  }
0x7f: {  	s23 =	simm.s32 $0x0;
	s22 =	simm.s32 $0x18080;
	v18 =	vadd.f32 v18, v2;
	v20 =	vor.u32 $0xF, v1;
	v2 =	vmovc v1;
	v3 =	vadd.f32 v22, v3  }
.LBB2_5:
0x80: {  	s23 =	sadd.s32 $0x10, s23;
	v2 =	vadd.s32 $0x10, v2;
	s21 =	sadd.s32 $0x100, s21  }
0x81: {  	v19 =	vadd.f32 v21, v19;
	p0 =	slt.u32 s23, $0x2F0;
	_ =	sdelay $0x1  }
0x82: {  	v18 =	vadd.f32 v19, v18;
	[tilespmem:s22+$0x60] =	vst v19;
	v19 =	vmul.f32 v19, v19  }
0x83: {  	v21 =	vld.idx.msk [tilespmem:v20+s4+$0x0], $0xffff  }
0x84: {  	v19 =	vadd.f32 v19, v3;
	v3 =	vld.idx.msk [tilespmem:v20+s13+$0x0], $0xffff;
	_ =	sdelay $0x5  }
0x85: {  	v20 =	vadd.f32 v3, v21;
	_ =	sdelay $0x1  }
0x86: {  	v3 =	vadd.f32 v20, v18;
	v18 =	vmul.f32 v20, v20;
	[tilespmem:s22+$0x70] =	vst v20;
	s22 =	smov.u32 s21  }
0x87: {  	v20 =	vld.idx.msk [tilespmem:v2+s4+$0x0], $0xffff  }
0x88: {  	v18 =	vadd.f32 v18, v19;
	v21 =	vld.idx.msk [tilespmem:v2+s13+$0x0], $0xffff;
	_ =	sdelay $0x3  }
0x89: {  	v22 =	vor.u32 $0x1, v2;
	_ =	sdelay $0x1  }
0x8a: {  	v19 =	vadd.f32 v21, v20;
	_ =	sdelay $0x1  }
0x8b: {  	v20 =	vmul.f32 v19, v19;
	[tilespmem:s21+$0xFFFFFF80] =	vst v19  }
0x8c: {  	v21 =	vld.idx.msk [tilespmem:v22+s4+$0x0], $0xffff  }
0x8d: {  	v22 =	vld.idx.msk [tilespmem:v22+s13+$0x0], $0xffff;
	_ =	sdelay $0x3  }
0x8e: {  	v23 =	vor.u32 $0x2, v2;
	_ =	sdelay $0x1  }
0x8f: {  	v21 =	vadd.f32 v22, v21;
	_ =	sdelay $0x1  }
0x90: {  	v22 =	vmul.f32 v21, v21;
	[tilespmem:s21+$0xFFFFFF90] =	vst v21  }
0x91: {  	v24 =	vld.idx.msk [tilespmem:v23+s4+$0x0], $0xffff  }
0x92: {  	v23 =	vld.idx.msk [tilespmem:v23+s13+$0x0], $0xffff;
	_ =	sdelay $0x3  }
0x93: {  	v25 =	vor.u32 $0x3, v2;
	_ =	sdelay $0x1  }
0x94: {  	v23 =	vadd.f32 v23, v24;
	_ =	sdelay $0x1  }
0x95: {  	v24 =	vmul.f32 v23, v23;
	[tilespmem:s21+$0xFFFFFFA0] =	vst v23  }
0x96: {  	v26 =	vld.idx.msk [tilespmem:v25+s4+$0x0], $0xffff  }
0x97: {  	v25 =	vld.idx.msk [tilespmem:v25+s13+$0x0], $0xffff;
	_ =	sdelay $0x3  }
0x98: {  	v27 =	vor.u32 $0x4, v2;
	_ =	sdelay $0x1  }
0x99: {  	v25 =	vadd.f32 v25, v26;
	_ =	sdelay $0x1  }
0x9a: {  	v26 =	vmul.f32 v25, v25;
	[tilespmem:s21+$0xFFFFFFB0] =	vst v25  }
0x9b: {  	v28 =	vld.idx.msk [tilespmem:v27+s4+$0x0], $0xffff  }
0x9c: {  	v27 =	vld.idx.msk [tilespmem:v27+s13+$0x0], $0xffff;
	_ =	sdelay $0x3  }
0x9d: {  	v29 =	vor.u32 $0x5, v2;
	_ =	sdelay $0x1  }
0x9e: {  	v27 =	vadd.f32 v27, v28;
	_ =	sdelay $0x1  }
0x9f: {  	v28 =	vmul.f32 v27, v27;
	[tilespmem:s21+$0xFFFFFFC0] =	vst v27  }
0xa0: {  	v30 =	vld.idx.msk [tilespmem:v29+s4+$0x0], $0xffff  }
0xa1: {  	v29 =	vld.idx.msk [tilespmem:v29+s13+$0x0], $0xffff;
	_ =	sdelay $0x3  }
0xa2: {  	v31 =	vor.u32 $0x6, v2;
	_ =	sdelay $0x1  }
0xa3: {  	v29 =	vadd.f32 v29, v30;
	_ =	sdelay $0x1  }
0xa4: {  	v30 =	vmul.f32 v29, v29;
	[tilespmem:s21+$0xFFFFFFD0] =	vst v29  }
0xa5: {  	v32 =	vld.idx.msk [tilespmem:v31+s4+$0x0], $0xffff  }
0xa6: {  	v31 =	vld.idx.msk [tilespmem:v31+s13+$0x0], $0xffff;
	_ =	sdelay $0x3  }
0xa7: {  	v33 =	vor.u32 $0x7, v2;
	_ =	sdelay $0x1  }
0xa8: {  	v31 =	vadd.f32 v31, v32;
	_ =	sdelay $0x1  }
0xa9: {  	v32 =	vmul.f32 v31, v31;
	[tilespmem:s21+$0xFFFFFFE0] =	vst v31  }
0xaa: {  	v34 =	vld.idx.msk [tilespmem:v33+s4+$0x0], $0xffff  }
0xab: {  	v33 =	vld.idx.msk [tilespmem:v33+s13+$0x0], $0xffff;
	_ =	sdelay $0x3  }
0xac: {  	v35 =	vor.u32 $0x8, v2;
	_ =	sdelay $0x1  }
0xad: {  	v33 =	vadd.f32 v33, v34;
	_ =	sdelay $0x1  }
0xae: {  	v34 =	vmul.f32 v33, v33;
	[tilespmem:s21+$0xFFFFFFF0] =	vst v33  }
0xaf: {  	v36 =	vld.idx.msk [tilespmem:v35+s4+$0x0], $0xffff  }
0xb0: {  	v35 =	vld.idx.msk [tilespmem:v35+s13+$0x0], $0xffff;
	_ =	sdelay $0x3  }
0xb1: {  	v37 =	vor.u32 $0x9, v2;
	_ =	sdelay $0x1  }
0xb2: {  	v35 =	vadd.f32 v35, v36;
	_ =	sdelay $0x1  }
0xb3: {  	v36 =	vmul.f32 v35, v35;
	[tilespmem:s21+$0x0] =	vst v35  }
0xb4: {  	v38 =	vld.idx.msk [tilespmem:v37+s4+$0x0], $0xffff  }
0xb5: {  	v37 =	vld.idx.msk [tilespmem:v37+s13+$0x0], $0xffff;
	_ =	sdelay $0x3  }
0xb6: {  	v39 =	vor.u32 $0xA, v2;
	_ =	sdelay $0x1  }
0xb7: {  	v37 =	vadd.f32 v37, v38;
	_ =	sdelay $0x1  }
0xb8: {  	v38 =	vmul.f32 v37, v37;
	[tilespmem:s21+$0x10] =	vst v37  }
0xb9: {  	v40 =	vld.idx.msk [tilespmem:v39+s4+$0x0], $0xffff  }
0xba: {  	v39 =	vld.idx.msk [tilespmem:v39+s13+$0x0], $0xffff;
	_ =	sdelay $0x3  }
0xbb: {  	v41 =	vor.u32 $0xB, v2;
	_ =	sdelay $0x1  }
0xbc: {  	v39 =	vadd.f32 v39, v40;
	_ =	sdelay $0x1  }
0xbd: {  	v40 =	vmul.f32 v39, v39;
	[tilespmem:s21+$0x20] =	vst v39  }
0xbe: {  	v42 =	vld.idx.msk [tilespmem:v41+s4+$0x0], $0xffff  }
0xbf: {  	v41 =	vld.idx.msk [tilespmem:v41+s13+$0x0], $0xffff;
	_ =	sdelay $0x3  }
0xc0: {  	v43 =	vor.u32 $0xC, v2  }
0xc1: {  	v3 =	vadd.f32 v19, v3;
	v18 =	vadd.f32 v20, v18  }
0xc2: {  	v19 =	vadd.f32 v41, v42  }
0xc3: {  	v3 =	vadd.f32 v21, v3;
	v18 =	vadd.f32 v22, v18  }
0xc4: {  	v20 =	vmul.f32 v19, v19;
	[tilespmem:s21+$0x30] =	vst v19  }
0xc5: {  	v3 =	vadd.f32 v23, v3;
	v18 =	vadd.f32 v24, v18;
	v21 =	vld.idx.msk [tilespmem:v43+s4+$0x0], $0xffff  }
0xc6: {  	v22 =	vld.idx.msk [tilespmem:v43+s13+$0x0], $0xffff  }
0xc7: {  	v3 =	vadd.f32 v25, v3;
	v18 =	vadd.f32 v26, v18;
	_ =	sdelay $0x1  }
0xc8: {  	v3 =	vadd.f32 v27, v3;
	v18 =	vadd.f32 v28, v18  }
0xc9: {  	v23 =	vor.u32 $0xD, v2  }
0xca: {  	v3 =	vadd.f32 v29, v3;
	v18 =	vadd.f32 v30, v18  }
0xcb: {  	v21 =	vadd.f32 v22, v21  }
0xcc: {  	v3 =	vadd.f32 v31, v3;
	v18 =	vadd.f32 v32, v18  }
0xcd: {  	v22 =	vmul.f32 v21, v21;
	[tilespmem:s21+$0x40] =	vst v21  }
0xce: {  	v3 =	vadd.f32 v33, v3;
	v18 =	vadd.f32 v34, v18;
	v24 =	vld.idx.msk [tilespmem:v23+s4+$0x0], $0xffff  }
0xcf: {  	v23 =	vld.idx.msk [tilespmem:v23+s13+$0x0], $0xffff  }
0xd0: {  	v3 =	vadd.f32 v35, v3;
	v18 =	vadd.f32 v36, v18;
	_ =	sdelay $0x1  }
0xd1: {  	v3 =	vadd.f32 v37, v3;
	v18 =	vadd.f32 v38, v18  }
0xd2: {  	v25 =	vor.u32 $0xE, v2  }
0xd3: {  	v3 =	vadd.f32 v39, v3;
	v18 =	vadd.f32 v40, v18  }
0xd4: {  	v23 =	vadd.f32 v23, v24  }
0xd5: {  	v3 =	vadd.f32 v19, v3;
	v18 =	vadd.f32 v20, v18  }
0xd6: {  	v20 =	vmul.f32 v23, v23;
	[tilespmem:s21+$0x50] =	vst v23  }
0xd7: {  	v3 =	vadd.f32 v21, v3;
	v22 =	vadd.f32 v22, v18;
	v19 =	vld.idx.msk [tilespmem:v25+s4+$0x0], $0xffff  }
.Ltmp0:
0xd8: {  	v21 =	vld.idx.msk [tilespmem:v25+s13+$0x0], $0xffff;
	(pc) =	sbr.rel @p0 .LBB2_5-.Ltmp0, $2  }
0xd9: {  	v18 =	vadd.f32 v23, v3;
	v3 =	vadd.f32 v20, v22;
	_ =	sdelay $0x2  }
0xda: {  	v20 =	vor.u32 $0xF, v2  }
0xdb: {  	_ = 	snop  }
0xdc: {  	v2 =	vadd.f32 v21, v19;
	_ =	sdelay $0x1  }
0xdd: {  	[tilespmem:s22+$0x60] =	vst v2  }
0xde: {  	v34 =	vld.idx.msk [tilespmem:v20+s4+$0x0], $0xffff  }
0xdf: {  	v35 =	vld.idx.msk [tilespmem:v20+s13+$0x0], $0xffff;
	_ =	sdelay $0x4  }
0xe0: {  	v18 =	vadd.f32 v2, v18;
	v2 =	vmul.f32 v2, v2;
	v19 =	vadd.f32 v35, v34;
	_ =	sdelay $0x1  }
0xe1: {  	v2 =	vadd.f32 v2, v3;
	v3 =	vadd.f32 v19, v18;
	v36 =	vmul.f32 v19, v19;
	_ =	sdelay $0x1  }
0xe2: {  	v2 =	vadd.f32 v36, v2;
	v3 =	vmul.f32 $1.302083370e-03, v3;
	_ =	sdelay $0x1  }
0xe3: {  	v2 =	vmul.f32 $1.302083370e-03, v2;
	v37 =	vmul.f32 v3, v3;
	_ =	sdelay $0x1  }
0xe4: {  	v2 =	vsub.f32 v2, v37;
	_ =	sdelay $0x1  }
0xe5: {  	v2 =	vadd.f32 $9.999999960e-13, v2;
	_ =	sdelay $0x1  }
0xe6: {  	v38 =	vshra.s32 v2, $0x1;
	v2 =	vmul.f32 $5.000000000e-01, v2  }
0xe7: {  	v18 =	vsub.s32 $0x5F3759DF, v38  }
0xe8: {  	v39 =	vmul.f32 v18, v2;
	_ =	sdelay $0x1  }
0xe9: {  	v20 =	vmul.f32 v18, v39;
	_ =	sdelay $0x1  }
0xea: {  	v20 =	vsub.f32 $1.500000000e+00, v20;
	_ =	sdelay $0x1  }
0xeb: {  	v18 =	vmul.f32 v18, v20;
	_ =	sdelay $0x1  }
0xec: {  	v20 =	vmul.f32 v18, v2;
	_ =	sdelay $0x1  }
0xed: {  	v20 =	vmul.f32 v20, v18;
	_ =	sdelay $0x1  }
0xee: {  	v20 =	vsub.f32 $1.500000000e+00, v20;
	_ =	sdelay $0x1  }
0xef: {  	v18 =	vmul.f32 v20, v18;
	_ =	sdelay $0x1  }
0xf0: {  	v2 =	vmul.f32 v18, v2;
	_ =	sdelay $0x1  }
0xf1: {  	s21 =	simm.s32 $0x18080;
	[tilespmem:s22+$0x70] =	vst v19;
	v2 =	vmul.f32 v2, v18  }
0xf2: {  	v19 =	vld [tilespmem:s21+$0xFFFFFF80]  }
0xf3: {  	s31 =	simm.s32 $0x0;
	v2 =	vsub.f32 $1.500000000e+00, v2  }
0xf4: {  	v40 =	vld [tilespmem:s31+$0x1B000]  }
0xf5: {  	v3 =	vsub.f32 $0.0e+00, v3;
	v2 =	vmul.f32 v2, v18  }
0xf6: {  	v41 =	vld [tilespmem:s31+$0x1B300]  }
0xf7: {  	v3 =	vmul.f32 v2, v3;
	v19 =	vmul.f32 v19, v2;
	_ =	sdelay $0x1  }
0xf8: {  	v42 =	vbroadcast v40, $0x0;
	v19 =	vadd.f32 v19, v3;
	_ =	sdelay $0x1  }
0xf9: {  	v43 =	vbroadcast v41, $0x0;
	v19 =	vmul.f32 v19, v42;
	_ =	sdelay $0x1  }
0xfa: {  	v19 =	vadd.f32 v19, v43;
	_ =	sdelay $0x1  }
0xfb: {  	[tilespmem:v1+s4+$0x0] =	vst.idx.msk $0xffff, v19  }
0xfc: {  	v19 =	vld [tilespmem:s21+$0xFFFFFF90];
	_ =	sdelay $0x4  }
0xfd: {  	v19 =	vmul.f32 v19, v2;
	_ =	sdelay $0x1  }
0xfe: {  	v44 =	vbroadcast v40, $0x1;
	v19 =	vadd.f32 v19, v3;
	_ =	sdelay $0x1  }
0xff: {  	v45 =	vbroadcast v41, $0x1;
	v19 =	vmul.f32 v19, v44;
	_ =	sdelay $0x1  }
0x100: {  	v19 =	vadd.f32 v19, v45;
	_ =	sdelay $0x1  }
0x101: {  	[tilespmem:v17+s4+$0x0] =	vst.idx.msk $0xffff, v19  }
0x102: {  	v17 =	vld [tilespmem:s21+$0xFFFFFFA0];
	_ =	sdelay $0x4  }
0x103: {  	v17 =	vmul.f32 v17, v2;
	_ =	sdelay $0x1  }
0x104: {  	v46 =	vbroadcast v40, $0x2;
	v17 =	vadd.f32 v17, v3;
	_ =	sdelay $0x1  }
0x105: {  	v47 =	vbroadcast v41, $0x2;
	v17 =	vmul.f32 v17, v46;
	_ =	sdelay $0x1  }
0x106: {  	v17 =	vadd.f32 v17, v47;
	_ =	sdelay $0x1  }
0x107: {  	[tilespmem:v16+s4+$0x0] =	vst.idx.msk $0xffff, v17  }
0x108: {  	v16 =	vld [tilespmem:s21+$0xFFFFFFB0];
	_ =	sdelay $0x4  }
0x109: {  	v16 =	vmul.f32 v16, v2;
	_ =	sdelay $0x1  }
0x10a: {  	v48 =	vbroadcast v40, $0x3;
	v16 =	vadd.f32 v16, v3;
	_ =	sdelay $0x1  }
0x10b: {  	v49 =	vbroadcast v41, $0x3;
	v16 =	vmul.f32 v16, v48;
	_ =	sdelay $0x1  }
0x10c: {  	v16 =	vadd.f32 v16, v49;
	_ =	sdelay $0x1  }
0x10d: {  	[tilespmem:v14+s4+$0x0] =	vst.idx.msk $0xffff, v16  }
0x10e: {  	v14 =	vld [tilespmem:s21+$0xFFFFFFC0];
	_ =	sdelay $0x4  }
0x10f: {  	v14 =	vmul.f32 v14, v2;
	_ =	sdelay $0x1  }
0x110: {  	v50 =	vbroadcast v40, $0x4;
	v14 =	vadd.f32 v14, v3;
	_ =	sdelay $0x1  }
0x111: {  	v51 =	vbroadcast v41, $0x4;
	v14 =	vmul.f32 v14, v50;
	_ =	sdelay $0x1  }
0x112: {  	v14 =	vadd.f32 v14, v51;
	_ =	sdelay $0x1  }
0x113: {  	[tilespmem:v13+s4+$0x0] =	vst.idx.msk $0xffff, v14  }
0x114: {  	v13 =	vld [tilespmem:s21+$0xFFFFFFD0];
	_ =	sdelay $0x4  }
0x115: {  	v13 =	vmul.f32 v13, v2;
	_ =	sdelay $0x1  }
0x116: {  	v52 =	vbroadcast v40, $0x5;
	v13 =	vadd.f32 v13, v3;
	_ =	sdelay $0x1  }
0x117: {  	v53 =	vbroadcast v41, $0x5;
	v13 =	vmul.f32 v13, v52;
	_ =	sdelay $0x1  }
0x118: {  	v13 =	vadd.f32 v13, v53;
	_ =	sdelay $0x1  }
0x119: {  	[tilespmem:v12+s4+$0x0] =	vst.idx.msk $0xffff, v13  }
0x11a: {  	v12 =	vld [tilespmem:s21+$0xFFFFFFE0];
	_ =	sdelay $0x4  }
0x11b: {  	v12 =	vmul.f32 v12, v2;
	_ =	sdelay $0x1  }
0x11c: {  	v54 =	vbroadcast v40, $0x6;
	v12 =	vadd.f32 v12, v3;
	_ =	sdelay $0x1  }
0x11d: {  	v55 =	vbroadcast v41, $0x6;
	v12 =	vmul.f32 v12, v54;
	_ =	sdelay $0x1  }
0x11e: {  	v12 =	vadd.f32 v12, v55;
	_ =	sdelay $0x1  }
0x11f: {  	[tilespmem:v11+s4+$0x0] =	vst.idx.msk $0xffff, v12  }
0x120: {  	v11 =	vld [tilespmem:s21+$0xFFFFFFF0];
	_ =	sdelay $0x4  }
0x121: {  	v11 =	vmul.f32 v11, v2;
	_ =	sdelay $0x1  }
0x122: {  	v56 =	vbroadcast v40, $0x7;
	v11 =	vadd.f32 v11, v3;
	_ =	sdelay $0x1  }
0x123: {  	v57 =	vbroadcast v41, $0x7;
	v11 =	vmul.f32 v11, v56;
	_ =	sdelay $0x1  }
0x124: {  	v11 =	vadd.f32 v11, v57;
	_ =	sdelay $0x1  }
0x125: {  	[tilespmem:v9+s4+$0x0] =	vst.idx.msk $0xffff, v11  }
0x126: {  	v9 =	vld [tilespmem:s21+$0x0];
	_ =	sdelay $0x4  }
0x127: {  	v9 =	vmul.f32 v9, v2;
	_ =	sdelay $0x1  }
0x128: {  	v58 =	vbroadcast v40, $0x8;
	v9 =	vadd.f32 v9, v3;
	_ =	sdelay $0x1  }
0x129: {  	v59 =	vbroadcast v41, $0x8;
	v9 =	vmul.f32 v9, v58;
	_ =	sdelay $0x1  }
0x12a: {  	v9 =	vadd.f32 v9, v59;
	_ =	sdelay $0x1  }
0x12b: {  	[tilespmem:v8+s4+$0x0] =	vst.idx.msk $0xffff, v9  }
0x12c: {  	v8 =	vld [tilespmem:s21+$0x10];
	_ =	sdelay $0x4  }
0x12d: {  	v8 =	vmul.f32 v8, v2;
	_ =	sdelay $0x1  }
0x12e: {  	v60 =	vbroadcast v40, $0x9;
	v8 =	vadd.f32 v8, v3;
	_ =	sdelay $0x1  }
0x12f: {  	v61 =	vbroadcast v41, $0x9;
	v8 =	vmul.f32 v8, v60;
	_ =	sdelay $0x1  }
0x130: {  	v8 =	vadd.f32 v8, v61;
	_ =	sdelay $0x1  }
0x131: {  	[tilespmem:v7+s4+$0x0] =	vst.idx.msk $0xffff, v8  }
0x132: {  	v7 =	vld [tilespmem:s21+$0x20];
	_ =	sdelay $0x4  }
0x133: {  	v7 =	vmul.f32 v7, v2;
	_ =	sdelay $0x1  }
0x134: {  	v62 =	vbroadcast v40, $0xA;
	v7 =	vadd.f32 v7, v3;
	_ =	sdelay $0x1  }
0x135: {  	v63 =	vbroadcast v41, $0xA;
	v7 =	vmul.f32 v7, v62;
	_ =	sdelay $0x1  }
0x136: {  	v7 =	vadd.f32 v7, v63;
	_ =	sdelay $0x1  }
0x137: {  	[tilespmem:v6+s4+$0x0] =	vst.idx.msk $0xffff, v7  }
0x138: {  	v6 =	vld [tilespmem:s21+$0x30];
	_ =	sdelay $0x4  }
0x139: {  	v6 =	vmul.f32 v6, v2;
	_ =	sdelay $0x1  }
0x13a: {  	v7 =	vbroadcast v40, $0xB;
	v6 =	vadd.f32 v6, v3;
	_ =	sdelay $0x1  }
0x13b: {  	v6 =	vmul.f32 v6, v7;
	v7 =	vbroadcast v41, $0xB;
	_ =	sdelay $0x1  }
0x13c: {  	v6 =	vadd.f32 v6, v7;
	_ =	sdelay $0x1  }
0x13d: {  	[tilespmem:v4+s4+$0x0] =	vst.idx.msk $0xffff, v6  }
0x13e: {  	v4 =	vld [tilespmem:s21+$0x40];
	_ =	sdelay $0x4  }
0x13f: {  	v4 =	vmul.f32 v4, v2;
	_ =	sdelay $0x1  }
0x140: {  	v6 =	vbroadcast v40, $0xC;
	v4 =	vadd.f32 v4, v3;
	_ =	sdelay $0x1  }
0x141: {  	v4 =	vmul.f32 v4, v6;
	v6 =	vbroadcast v41, $0xC;
	_ =	sdelay $0x1  }
0x142: {  	v4 =	vadd.f32 v4, v6;
	_ =	sdelay $0x1  }
0x143: {  	[tilespmem:v5+s4+$0x0] =	vst.idx.msk $0xffff, v4  }
0x144: {  	v4 =	vld [tilespmem:s21+$0x50];
	_ =	sdelay $0x4  }
0x145: {  	v4 =	vmul.f32 v4, v2;
	_ =	sdelay $0x1  }
0x146: {  	v5 =	vbroadcast v40, $0xD;
	v4 =	vadd.f32 v4, v3;
	_ =	sdelay $0x1  }
0x147: {  	v4 =	vmul.f32 v4, v5;
	v5 =	vbroadcast v41, $0xD;
	_ =	sdelay $0x1  }
0x148: {  	v4 =	vadd.f32 v4, v5;
	_ =	sdelay $0x1  }
0x149: {  	[tilespmem:v10+s4+$0x0] =	vst.idx.msk $0xffff, v4  }
0x14a: {  	v4 =	vld [tilespmem:s21+$0x60];
	_ =	sdelay $0x4  }
0x14b: {  	v4 =	vmul.f32 v4, v2;
	_ =	sdelay $0x1  }
0x14c: {  	v5 =	vbroadcast v40, $0xE;
	v4 =	vadd.f32 v4, v3;
	_ =	sdelay $0x1  }
0x14d: {  	v4 =	vmul.f32 v4, v5;
	v5 =	vbroadcast v41, $0xE;
	_ =	sdelay $0x1  }
0x14e: {  	v4 =	vadd.f32 v4, v5;
	_ =	sdelay $0x1  }
0x14f: {  	[tilespmem:v15+s4+$0x0] =	vst.idx.msk $0xffff, v4  }
0x150: {  	v4 =	vld [tilespmem:s21+$0x70];
	_ =	sdelay $0x4  }
0x151: {  	v4 =	vmul.f32 v4, v2;
	_ =	sdelay $0x1  }
0x152: {  	v5 =	vbroadcast v40, $0xF;
	v4 =	vadd.f32 v4, v3;
	_ =	sdelay $0x1  }
0x153: {  	v4 =	vmul.f32 v4, v5;
	v5 =	vor.u32 $0xF, v1  }
0x154: {  	v6 =	vbroadcast v41, $0xF;
	_ =	sdelay $0x1  }
0x155: {  	s22 =	simm.s32 $0x40;
	v4 =	vadd.f32 v4, v6  }
.LBB2_7:
0x156: {  	p0 =	sne.s32 s22, $0xBC0  }
0x157: {  	v1 =	vadd.s32 $0x10, v1;
	s21 =	sadd.s32 $0x100, s21;
	s23 =	smov.u32 s22;
	s22 =	sadd.s32 $0x40, s22;
	[tilespmem:v5+s4+$0x0] =	vst.idx.msk $0xffff, v4  }
0x158: {  	v6 =	vld [tilespmem:s21+$0xFFFFFF80]  }
0x159: {  	s23 =	sshra.s32 s23, $0x2  }
0x15a: {  	v5 =	vld [tilespmem:s23+$0x1B000];
	_ =	sdelay $0x1  }
0x15b: {  	v4 =	vld [tilespmem:s23+$0x1B300]  }
0x15c: {  	v6 =	vmul.f32 v6, v2;
	_ =	sdelay $0x1  }
0x15d: {  	v6 =	vadd.f32 v6, v3;
	v7 =	vbroadcast v5, $0x0;
	_ =	sdelay $0x1  }
0x15e: {  	v6 =	vmul.f32 v6, v7;
	v7 =	vbroadcast v4, $0x0;
	_ =	sdelay $0x1  }
0x15f: {  	v6 =	vadd.f32 v6, v7;
	_ =	sdelay $0x1  }
0x160: {  	[tilespmem:v1+s4+$0x0] =	vst.idx.msk $0xffff, v6  }
0x161: {  	v6 =	vld [tilespmem:s21+$0xFFFFFF90];
	_ =	sdelay $0x4  }
0x162: {  	v6 =	vmul.f32 v6, v2;
	_ =	sdelay $0x1  }
0x163: {  	v7 =	vbroadcast v5, $0x1;
	v6 =	vadd.f32 v6, v3  }
0x164: {  	v8 =	vor.u32 $0x1, v1  }
0x165: {  	v6 =	vmul.f32 v6, v7;
	v7 =	vbroadcast v4, $0x1;
	_ =	sdelay $0x1  }
0x166: {  	v6 =	vadd.f32 v6, v7;
	_ =	sdelay $0x1  }
0x167: {  	[tilespmem:v8+s4+$0x0] =	vst.idx.msk $0xffff, v6  }
0x168: {  	v6 =	vld [tilespmem:s21+$0xFFFFFFA0];
	_ =	sdelay $0x4  }
0x169: {  	v6 =	vmul.f32 v6, v2;
	_ =	sdelay $0x1  }
0x16a: {  	v7 =	vbroadcast v5, $0x2;
	v6 =	vadd.f32 v6, v3  }
0x16b: {  	v8 =	vor.u32 $0x2, v1  }
0x16c: {  	v6 =	vmul.f32 v6, v7;
	v7 =	vbroadcast v4, $0x2;
	_ =	sdelay $0x1  }
0x16d: {  	v6 =	vadd.f32 v6, v7;
	_ =	sdelay $0x1  }
0x16e: {  	[tilespmem:v8+s4+$0x0] =	vst.idx.msk $0xffff, v6  }
0x16f: {  	v6 =	vld [tilespmem:s21+$0xFFFFFFB0];
	_ =	sdelay $0x4  }
0x170: {  	v6 =	vmul.f32 v6, v2;
	_ =	sdelay $0x1  }
0x171: {  	v7 =	vbroadcast v5, $0x3;
	v6 =	vadd.f32 v6, v3  }
0x172: {  	v8 =	vor.u32 $0x3, v1  }
0x173: {  	v6 =	vmul.f32 v6, v7;
	v7 =	vbroadcast v4, $0x3;
	_ =	sdelay $0x1  }
0x174: {  	v6 =	vadd.f32 v6, v7;
	_ =	sdelay $0x1  }
0x175: {  	[tilespmem:v8+s4+$0x0] =	vst.idx.msk $0xffff, v6  }
0x176: {  	v6 =	vld [tilespmem:s21+$0xFFFFFFC0];
	_ =	sdelay $0x4  }
0x177: {  	v6 =	vmul.f32 v6, v2;
	_ =	sdelay $0x1  }
0x178: {  	v7 =	vbroadcast v5, $0x4;
	v6 =	vadd.f32 v6, v3  }
0x179: {  	v8 =	vor.u32 $0x4, v1  }
0x17a: {  	v6 =	vmul.f32 v6, v7;
	v7 =	vbroadcast v4, $0x4;
	_ =	sdelay $0x1  }
0x17b: {  	v6 =	vadd.f32 v6, v7;
	_ =	sdelay $0x1  }
0x17c: {  	[tilespmem:v8+s4+$0x0] =	vst.idx.msk $0xffff, v6  }
0x17d: {  	v6 =	vld [tilespmem:s21+$0xFFFFFFD0];
	_ =	sdelay $0x4  }
0x17e: {  	v6 =	vmul.f32 v6, v2;
	_ =	sdelay $0x1  }
0x17f: {  	v7 =	vbroadcast v5, $0x5;
	v6 =	vadd.f32 v6, v3  }
0x180: {  	v8 =	vor.u32 $0x5, v1  }
0x181: {  	v6 =	vmul.f32 v6, v7;
	v7 =	vbroadcast v4, $0x5;
	_ =	sdelay $0x1  }
0x182: {  	v6 =	vadd.f32 v6, v7;
	_ =	sdelay $0x1  }
0x183: {  	[tilespmem:v8+s4+$0x0] =	vst.idx.msk $0xffff, v6  }
0x184: {  	v6 =	vld [tilespmem:s21+$0xFFFFFFE0];
	_ =	sdelay $0x4  }
0x185: {  	v6 =	vmul.f32 v6, v2;
	_ =	sdelay $0x1  }
0x186: {  	v7 =	vbroadcast v5, $0x6;
	v6 =	vadd.f32 v6, v3  }
0x187: {  	v8 =	vor.u32 $0x6, v1  }
0x188: {  	v6 =	vmul.f32 v6, v7;
	v7 =	vbroadcast v4, $0x6;
	_ =	sdelay $0x1  }
0x189: {  	v6 =	vadd.f32 v6, v7;
	_ =	sdelay $0x1  }
0x18a: {  	[tilespmem:v8+s4+$0x0] =	vst.idx.msk $0xffff, v6  }
0x18b: {  	v6 =	vld [tilespmem:s21+$0xFFFFFFF0];
	_ =	sdelay $0x4  }
0x18c: {  	v6 =	vmul.f32 v6, v2;
	_ =	sdelay $0x1  }
0x18d: {  	v7 =	vbroadcast v5, $0x7;
	v6 =	vadd.f32 v6, v3  }
0x18e: {  	v8 =	vor.u32 $0x7, v1  }
0x18f: {  	v6 =	vmul.f32 v6, v7;
	v7 =	vbroadcast v4, $0x7;
	_ =	sdelay $0x1  }
0x190: {  	v6 =	vadd.f32 v6, v7;
	_ =	sdelay $0x1  }
0x191: {  	[tilespmem:v8+s4+$0x0] =	vst.idx.msk $0xffff, v6  }
0x192: {  	v6 =	vld [tilespmem:s21+$0x0];
	_ =	sdelay $0x4  }
0x193: {  	v6 =	vmul.f32 v6, v2;
	_ =	sdelay $0x1  }
0x194: {  	v7 =	vbroadcast v5, $0x8;
	v6 =	vadd.f32 v6, v3  }
0x195: {  	v8 =	vor.u32 $0x8, v1  }
0x196: {  	v6 =	vmul.f32 v6, v7;
	v7 =	vbroadcast v4, $0x8;
	_ =	sdelay $0x1  }
0x197: {  	v6 =	vadd.f32 v6, v7;
	_ =	sdelay $0x1  }
0x198: {  	[tilespmem:v8+s4+$0x0] =	vst.idx.msk $0xffff, v6  }
0x199: {  	v6 =	vld [tilespmem:s21+$0x10];
	_ =	sdelay $0x4  }
0x19a: {  	v6 =	vmul.f32 v6, v2;
	_ =	sdelay $0x1  }
0x19b: {  	v7 =	vbroadcast v5, $0x9;
	v6 =	vadd.f32 v6, v3  }
0x19c: {  	v8 =	vor.u32 $0x9, v1  }
0x19d: {  	v6 =	vmul.f32 v6, v7;
	v7 =	vbroadcast v4, $0x9;
	_ =	sdelay $0x1  }
0x19e: {  	v6 =	vadd.f32 v6, v7;
	_ =	sdelay $0x1  }
0x19f: {  	[tilespmem:v8+s4+$0x0] =	vst.idx.msk $0xffff, v6  }
0x1a0: {  	v6 =	vld [tilespmem:s21+$0x20];
	_ =	sdelay $0x4  }
0x1a1: {  	v6 =	vmul.f32 v6, v2;
	_ =	sdelay $0x1  }
0x1a2: {  	v7 =	vbroadcast v5, $0xA;
	v6 =	vadd.f32 v6, v3  }
0x1a3: {  	v8 =	vor.u32 $0xA, v1  }
0x1a4: {  	v6 =	vmul.f32 v6, v7;
	v7 =	vbroadcast v4, $0xA;
	_ =	sdelay $0x1  }
0x1a5: {  	v6 =	vadd.f32 v6, v7;
	_ =	sdelay $0x1  }
0x1a6: {  	[tilespmem:v8+s4+$0x0] =	vst.idx.msk $0xffff, v6  }
0x1a7: {  	v6 =	vld [tilespmem:s21+$0x30];
	_ =	sdelay $0x4  }
0x1a8: {  	v6 =	vmul.f32 v6, v2;
	_ =	sdelay $0x1  }
0x1a9: {  	v7 =	vbroadcast v5, $0xB;
	v6 =	vadd.f32 v6, v3  }
0x1aa: {  	v8 =	vor.u32 $0xB, v1  }
0x1ab: {  	v6 =	vmul.f32 v6, v7;
	v7 =	vbroadcast v4, $0xB;
	_ =	sdelay $0x1  }
0x1ac: {  	v6 =	vadd.f32 v6, v7;
	_ =	sdelay $0x1  }
0x1ad: {  	[tilespmem:v8+s4+$0x0] =	vst.idx.msk $0xffff, v6  }
0x1ae: {  	v6 =	vld [tilespmem:s21+$0x40];
	_ =	sdelay $0x4  }
0x1af: {  	v6 =	vmul.f32 v6, v2;
	_ =	sdelay $0x1  }
0x1b0: {  	v7 =	vbroadcast v5, $0xC;
	v6 =	vadd.f32 v6, v3  }
0x1b1: {  	v8 =	vor.u32 $0xC, v1  }
0x1b2: {  	v6 =	vmul.f32 v6, v7;
	v7 =	vbroadcast v4, $0xC;
	_ =	sdelay $0x1  }
0x1b3: {  	v6 =	vadd.f32 v6, v7;
	_ =	sdelay $0x1  }
0x1b4: {  	[tilespmem:v8+s4+$0x0] =	vst.idx.msk $0xffff, v6  }
0x1b5: {  	v6 =	vld [tilespmem:s21+$0x50];
	_ =	sdelay $0x4  }
0x1b6: {  	v6 =	vmul.f32 v6, v2;
	_ =	sdelay $0x1  }
0x1b7: {  	v7 =	vbroadcast v5, $0xD;
	v6 =	vadd.f32 v6, v3  }
0x1b8: {  	v8 =	vor.u32 $0xD, v1  }
0x1b9: {  	v6 =	vmul.f32 v6, v7;
	v7 =	vbroadcast v4, $0xD;
	_ =	sdelay $0x1  }
0x1ba: {  	v6 =	vadd.f32 v6, v7;
	_ =	sdelay $0x1  }
0x1bb: {  	[tilespmem:v8+s4+$0x0] =	vst.idx.msk $0xffff, v6  }
0x1bc: {  	v6 =	vld [tilespmem:s21+$0x60];
	_ =	sdelay $0x4  }
0x1bd: {  	v6 =	vmul.f32 v6, v2;
	_ =	sdelay $0x1  }
0x1be: {  	v7 =	vbroadcast v5, $0xE;
	v6 =	vadd.f32 v6, v3  }
0x1bf: {  	v8 =	vor.u32 $0xE, v1  }
0x1c0: {  	v6 =	vmul.f32 v6, v7;
	v7 =	vbroadcast v4, $0xE;
	_ =	sdelay $0x1  }
0x1c1: {  	v6 =	vadd.f32 v6, v7;
	_ =	sdelay $0x1  }
0x1c2: {  	[tilespmem:v8+s4+$0x0] =	vst.idx.msk $0xffff, v6  }
0x1c3: {  	v6 =	vld [tilespmem:s21+$0x70];
	_ =	sdelay $0x4  }
0x1c4: {  	v6 =	vmul.f32 v6, v2;
	_ =	sdelay $0x1  }
.Ltmp1:
0x1c5: {  	v7 =	vbroadcast v5, $0xF;
	v6 =	vadd.f32 v6, v3;
	(pc) =	sbr.rel @p0 .LBB2_7-.Ltmp1, $3  }
0x1c6: {  	v5 =	vor.u32 $0xF, v1  }
0x1c7: {  	v4 =	vbroadcast v4, $0xF;
	v6 =	vmul.f32 v6, v7;
	_ =	sdelay $0x1  }
0x1c8: {  	v4 =	vadd.f32 v6, v4  }
0x1c9: {  	s20 =	sadd.s32 $0x1, s20  }
0x1ca: {  	p0 =	sne.s32 s20, $0x4  }
.Ltmp2:
0x1cb: {  	_ = 	snop;
	(pc) =	sbr.rel @p0 .LBB2_4-.Ltmp2, $2  }
0x1cc: {  	_ =	sdelay $0x2  }
0x1cd: {  	[tilespmem:v5+s4+$0x0] =	vst.idx.msk $0xffff, v4  }
0x1ce: {  	s18 =	sadd.s32 $0x1, s18  }
0x1cf: {  	p0 =	sne.s32 s18, $0x4  }
.Ltmp3:
0x1d0: {  	s19 =	sadd.s32 s7, s19;
	(pc) =	sbr.rel @p0 .LBB2_3-.Ltmp3, $4  }
0x1d1: {  	[hbm4b:s19+s4] =	stream.linear.scatter [tilespmem:s4], [sflag:$0x1], $0xC000, $0x38;
	[tilespmem:$0x1B600] =	vst v63  }
0x1d2: {  	_ =	swait.ge [sflag:s11], $0xC000  }
0x1d3: {  	[sflag:s11] =	ssyncset.done $0x0  }
0x1d4: {  	[sflag:s11] =	ssyncadd.s32 $0xFFFF4000  }
0x1d5: {  	s15 =	sadd.s32 $0x1, s15  }
0x1d6: {  	p0 =	sne.s32 s15, $0x4  }
.Ltmp4:
0x1d7: {  	_ = 	snop;
	(pc) =	sbr.rel @p0 .LBB2_2-.Ltmp4, $1  }
0x1d8: {  	_ =	sdelay $0x3  }
0x1d9: {  	s14 =	sadd.s32 $0x1, s14  }
0x1da: {  	p0 =	sne.s32 s14, s9  }
.Ltmp5:
0x1db: {  	_ = 	snop;
	(pc) =	sbr.rel @p0 .LBB2_1-.Ltmp5, $1  }
0x1dc: {  	_ =	sdelay $0x3  }
0x1dd: {  	_ =	sfence.sel $0x180000  }
0x1de: {  	[bflag:$0x0] =	sbarrier.arrive $0xFFFF  }
0x1df: {  	p0 =	sne.s32 s5, $0x0;
	_ =	strace $0x90000047  }
0x1e0: {  	s0 =	sadd.s32 @!p0 $0x100000, s0;
	[bflag:$0x2] =	sbarrier.arrive $0xFFFF  }
0x1e1: {  	[sflag:s0] =	ssyncadd.tile.s32 @!p0 $0x1;
	_ =	shalt  }
.Lfunc_end2:
_tile_overlayer_lowered:
.L_overlay_start_2:
0x1e2: {  	(tag) =	ssettag $0x2  }
0x1e3: {  	s0 =	rddreg [dreg:$0x0];
	s2 =	stileid.u32  }
0x1e4: {  	s1 =	rddreg [dreg:$0x1];
	p0 =	sne.s32 s2, $0x0  }
0x1e5: {  	s3 =	rddreg [dreg:$0x2];
	[bflag:$0x3] =	sbarrier.arrive $0xFFFF;
	s2 =	simm.s32 @!p0 $0x1C01  }
0x1e6: {  	[timem:s3], [sflag:s2] =	dma.local @!p0 [hbm:s0], s1  }
0x1e7: {  	s0 =	simm.s32 @!p0 $0x1  }
0x1e8: {  	_ =	swait.ge @!p0 [sflag:s0], s1  }
0x1e9: {  	s1 =	ssub.s32 @!p0 $0x0, s1;
	[sflag:s0] =	ssyncset.done @!p0 $0x0  }
0x1ea: {  	[sflag:s0] =	ssyncadd.s32 @!p0 s1  }
0x1eb: {  	[bflag:$0x3] =	sbarrier.arrive $0xFFFF  }
0x1ec: {  	_ =	shalt  }

</sc_bundles>
